<compile_context>
chip_gen: v7x
topology: tpu7x:2x2x1
jax: 0.10.2.dev20260603
libtpu: 0.0.44.dev20260713+nightly
codegen_flags: <defaults>
</compile_context>

<pallas_src>
import functools

import jax
import jax.numpy as jnp
from jax import lax
from jax.experimental import pallas as pl
from jax.experimental.pallas import tpu as pltpu
from jax.experimental.pallas import tpu_sc as plsc

N_NODES = 10000
N_EDGES = 320000
D = 128
DA = 144

NC = 2
NS = 16
HALF = N_NODES // NC
NPC = 5120
E_PER_T = N_EDGES // NS
SEG = 10000
N_SEG = E_PER_T // SEG
CHUNK = 80
N_CHUNKS = SEG // CHUNK
STRIPE = NPC // NS
ZR = 80
DEG_W = 16
V = 16


def _sc_aggregate(feat_aug, src_e, dst_e, zero_acc):
    mesh = plsc.VectorSubcoreMesh(core_axis_name="c", subcore_axis_name="s")

    @functools.partial(
        pl.kernel,
        out_type=jax.ShapeDtypeStruct((NC, NPC, DA), jnp.float32),
        mesh=mesh,
        compiler_params=pltpu.CompilerParams(use_tc_tiling_on_sc=False),
        scratch_types=[
            pltpu.VMEM((SEG,), jnp.int32),
            pltpu.VMEM((SEG,), jnp.int32),
            pltpu.VMEM((CHUNK,), jnp.int32),
            pltpu.VMEM((CHUNK, DA), jnp.float32),
            pltpu.VMEM((CHUNK, DA), jnp.float32),
            pltpu.VMEM_SHARED((NPC, DA), jnp.float32),
            pltpu.SemaphoreType.DMA,
            pltpu.SemaphoreType.DMA,
        ],
    )
    def body(feat_hbm, src_hbm, dst_hbm, zacc_hbm, acc_out,
             src_v, dst_v, chunk_v, rows_a, rows_b, acc_sh, sem_a, sem_b):
        cid = lax.axis_index("c")
        sid = lax.axis_index("s")
        lo = cid * HALF

        for q in range(STRIPE // ZR):
            sub = pl.ds(sid * STRIPE + q * ZR, ZR)
            pltpu.sync_copy(zacc_hbm, acc_sh.at[sub])
        plsc.subcore_barrier()

        lane = lax.iota(jnp.int32, V)

        def remap(j):
            for v in range(CHUNK // V):
                local = dst_v[pl.ds(j * CHUNK + v * V, V)] - lo
                ok = (local >= 0) & (local < HALF)
                dump = HALF + ((j + v) & 63) + lane
                chunk_v[pl.ds(v * V, V)] = jnp.where(ok, local, dump)

        def gsrc(j):
            return feat_hbm.at[src_v.at[pl.ds(j * CHUNK, CHUNK)]]

        def pair_step(p, carry):
            j0 = 2 * p
            j1 = j0 + 1
            pltpu.async_copy(gsrc(j1), rows_b, sem_b)
            pltpu.make_async_copy(gsrc(j0), rows_a, sem_a).wait()
            remap(j0)
            pltpu.sync_copy(rows_a, acc_sh.at[chunk_v], add=True)
            pltpu.async_copy(gsrc(j0 + 2), rows_a, sem_a)
            pltpu.make_async_copy(gsrc(j1), rows_b, sem_b).wait()
            remap(j1)
            pltpu.sync_copy(rows_b, acc_sh.at[chunk_v], add=True)
            return carry

        last = N_CHUNKS - 1
        for s in range(N_SEG):
            base = sid * E_PER_T + s * SEG
            pltpu.sync_copy(src_hbm.at[pl.ds(base, SEG)], src_v)
            pltpu.sync_copy(dst_hbm.at[pl.ds(base, SEG)], dst_v)
            pltpu.async_copy(gsrc(0), rows_a, sem_a)
            lax.fori_loop(0, N_CHUNKS // 2, pair_step, 0)
            pltpu.make_async_copy(gsrc(last), rows_a, sem_a).wait()
            remap(last)
            pltpu.sync_copy(rows_a, acc_sh.at[chunk_v], add=True)

        plsc.subcore_barrier()
        for q in range(STRIPE // ZR):
            sub = pl.ds(sid * STRIPE + q * ZR, ZR)
            pltpu.sync_copy(acc_sh.at[sub], acc_out.at[cid, sub])

    return body(feat_aug, src_e, dst_e, zero_acc)


def _tc_finish_body(acc_ref, wt_ref, b_ref, out_ref):
    a = acc_ref[0]
    h = a[:, :D] / jnp.maximum(a[:, D:D + 1], 1.0)
    o = jnp.dot(h, wt_ref[...], preferred_element_type=jnp.float32)
    out_ref[...] = jnp.maximum(o + b_ref[...], 0.0)


def _tc_finish(acc, wt, b2d):
    R = 200
    nb = HALF // R
    return pl.pallas_call(
        _tc_finish_body,
        grid=(NC, nb),
        in_specs=[
            pl.BlockSpec((1, R, DA), lambda c, i: (c, i, 0)),
            pl.BlockSpec((D, D), lambda c, i: (0, 0)),
            pl.BlockSpec((1, D), lambda c, i: (0, 0)),
        ],
        out_specs=pl.BlockSpec((R, D), lambda c, i: (c * nb + i, 0)),
        out_shape=jax.ShapeDtypeStruct((N_NODES, D), jnp.float32),
    )(acc, wt, b2d)


def kernel(feature, edge_index, W, b):
    src_e = edge_index[0].astype(jnp.int32)
    dst_e = edge_index[1].astype(jnp.int32)
    feat_aug = jnp.concatenate(
        [feature,
         jnp.ones((N_NODES, 1), jnp.float32),
         jnp.zeros((N_NODES, DA - D - 1), jnp.float32)], axis=1)
    zero_acc = jnp.zeros((ZR, DA), jnp.float32)

    acc = _sc_aggregate(feat_aug, src_e, dst_e, zero_acc)
    return _tc_finish(acc, W.T, b.reshape(1, D))

# --- scband reference (transcript-rebuilt; emitter-appended) ---
"""Pipeline reference for scband-gcn-5007931867570 (READ-ONLY COPY).

The authoritative reference and input builder live on the scoring server;
editing this copy changes nothing except your own understanding.
"""

import jax, jax.numpy as jnp
import numpy as np

N_NODES = 10000
N_EDGES = 320000
D_IN = 128
D_OUT = 128


def setup_inputs(seed: int = 0) -> dict:
    key = jax.random.key(seed)
    k1, k2, k3, k4 = jax.random.split(key, 4)
    feature = jax.random.normal(k1, (N_NODES, D_IN), dtype=jnp.float32)
    edge_index = jax.random.randint(k2, (2, N_EDGES), 0, N_NODES, dtype=jnp.int64)
    # nn.Linear(in_feats, out_feats) params
    bound = 1.0 / np.sqrt(D_IN)
    W = jax.random.uniform(k3, (D_OUT, D_IN), dtype=jnp.float32, minval=-bound, maxval=bound)
    b = jax.random.uniform(k4, (D_OUT,), dtype=jnp.float32, minval=-bound, maxval=bound)
    return {"feature": feature, "edge_index": edge_index, "W": W, "b": b}


def reference(feature, edge_index, W, b):
    # DGL update_all(copy_src('h','m'), mean over mailbox):
    # each dst node receives src features over incoming edges, then mean-reduces.
    src = edge_index[0]
    dst = edge_index[1]
    msgs = jnp.take(feature, src, axis=0)                       # gather: [E, D_IN]
    summed = jax.ops.segment_sum(msgs, dst, num_segments=N_NODES)  # scatter-add
    deg = jax.ops.segment_sum(jnp.ones((N_EDGES,), dtype=feature.dtype), dst, num_segments=N_NODES)
    h = summed / jnp.maximum(deg, 1.0)[:, None]                 # mean aggregation
    out = h @ W.T + b                                           # nn.Linear
    return jax.nn.relu(out)                                     # activation

if __name__ == "__main__":
    import jax
    _d = setup_inputs()
    print(jax.jit(kernel)(*tuple(_d.values())))

</pallas_src>

<mosaic_0001>
#map = affine_map<(d0, d1) -> (0, 0)>
#map1 = affine_map<(d0, d1) -> (0)>
#map2 = affine_map<(d0, d1) -> (0, 0, 0)>
module attributes {stable_mosaic.version = 14 : i64} {
  func.func @body(%arg0: i32, %arg1: i32, %arg2: memref<10000x144xf32, #tpu.memory_space<hbm>>, %arg3: memref<320000xi32, #tpu.memory_space<hbm>>, %arg4: memref<320000xi32, #tpu.memory_space<hbm>>, %arg5: memref<80x144xf32, #tpu.memory_space<hbm>>, %arg6: memref<2x5120x144xf32, #tpu.memory_space<hbm>>, %arg7: memref<10000xi32, #tpu.memory_space<vmem>>, %arg8: memref<10000xi32, #tpu.memory_space<vmem>>, %arg9: memref<80xi32, #tpu.memory_space<vmem>>, %arg10: memref<80x144xf32, #tpu.memory_space<vmem>>, %arg11: memref<80x144xf32, #tpu.memory_space<vmem>>, %arg12: memref<5120x144xf32, #tpu.memory_space<vmem_shared>>, %arg13: memref<!tpu.dma_semaphore, #tpu.memory_space<semaphore_mem>>, %arg14: memref<!tpu.dma_semaphore, #tpu.memory_space<semaphore_mem>>) attributes {dimension_semantics = [#tpu.dimension_semantics<core_parallel>, #tpu.dimension_semantics<subcore_parallel>], iteration_bounds = array<i64: 2, 16>, scalar_prefetch = 0 : i64, scratch_operands = 8 : i64, tpu.core_type = #tpu.core_type<sc_vector_subcore>, window_params = [{transform_indices = #map}, {transform_indices = #map1}, {transform_indices = #map1}, {transform_indices = #map}, {transform_indices = #map2}]} {
    %mul3A = arith.constant 5000 : i32
    %mul3A_0 = arith.muli %arg0, %mul3A : i32
    %mul3A_1 = arith.constant 320 : i32
    %mul3A_2 = arith.muli %arg1, %mul3A_1 : i32
    %add3A = arith.constant 0 : i32
    %add3A_3 = arith.addi %mul3A_2, %add3A : i32
    "tpu.region"() ({
      %run_scoped3A = tpu.sem_alloc : memref<!tpu.dma_semaphore, #tpu.memory_space<semaphore_mem>>
      %dma_start3A_263 = arith.constant 0 : i32
      %dma_start3A_264 = tpu.memref_slice %arg12[%add3A_3, %dma_start3A_263] : memref<5120x144xf32, #tpu.memory_space<vmem_shared>> -> memref<80x144xf32, #tpu.memory_space<vmem_shared>>
      tpu.enqueue_dma source(%arg5 : memref<80x144xf32, #tpu.memory_space<hbm>>) target(%dma_start3A_264 : memref<80x144xf32, #tpu.memory_space<vmem_shared>>) target_semaphore(%run_scoped3A : memref<!tpu.dma_semaphore, #tpu.memory_space<semaphore_mem>>)
      %dma_wait3A_265 = arith.constant 0 : i32
      %dma_wait3A_266 = tpu.memref_slice %arg12[%add3A_3, %dma_wait3A_265] : memref<5120x144xf32, #tpu.memory_space<vmem_shared>> -> memref<80x144xf32, #tpu.memory_space<vmem_shared>>
      tpu.wait_dma2 semaphore(%run_scoped3A : memref<!tpu.dma_semaphore, #tpu.memory_space<semaphore_mem>>) src(%arg5 : memref<80x144xf32, #tpu.memory_space<hbm>>) dst(%dma_wait3A_266 : memref<80x144xf32, #tpu.memory_space<vmem_shared>>)
      tpu.yield
    }) : () -> ()
    %mul3A_4 = arith.constant 320 : i32
    %mul3A_5 = arith.muli %arg1, %mul3A_4 : i32
    %add3A_6 = arith.constant 80 : i32
    %add3A_7 = arith.addi %mul3A_5, %add3A_6 : i32
    "tpu.region"() ({
      %run_scoped3A = tpu.sem_alloc : memref<!tpu.dma_semaphore, #tpu.memory_space<semaphore_mem>>
      %dma_start3A_263 = arith.constant 0 : i32
      %dma_start3A_264 = tpu.memref_slice %arg12[%add3A_7, %dma_start3A_263] : memref<5120x144xf32, #tpu.memory_space<vmem_shared>> -> memref<80x144xf32, #tpu.memory_space<vmem_shared>>
      tpu.enqueue_dma source(%arg5 : memref<80x144xf32, #tpu.memory_space<hbm>>) target(%dma_start3A_264 : memref<80x144xf32, #tpu.memory_space<vmem_shared>>) target_semaphore(%run_scoped3A : memref<!tpu.dma_semaphore, #tpu.memory_space<semaphore_mem>>)
      %dma_wait3A_265 = arith.constant 0 : i32
      %dma_wait3A_266 = tpu.memref_slice %arg12[%add3A_7, %dma_wait3A_265] : memref<5120x144xf32, #tpu.memory_space<vmem_shared>> -> memref<80x144xf32, #tpu.memory_space<vmem_shared>>
      tpu.wait_dma2 semaphore(%run_scoped3A : memref<!tpu.dma_semaphore, #tpu.memory_space<semaphore_mem>>) src(%arg5 : memref<80x144xf32, #tpu.memory_space<hbm>>) dst(%dma_wait3A_266 : memref<80x144xf32, #tpu.memory_space<vmem_shared>>)
      tpu.yield
    }) : () -> ()
    %mul3A_8 = arith.constant 320 : i32
    %mul3A_9 = arith.muli %arg1, %mul3A_8 : i32
    %add3A_10 = arith.constant 160 : i32
    %add3A_11 = arith.addi %mul3A_9, %add3A_10 : i32
    "tpu.region"() ({
      %run_scoped3A = tpu.sem_alloc : memref<!tpu.dma_semaphore, #tpu.memory_space<semaphore_mem>>
      %dma_start3A_263 = arith.constant 0 : i32
      %dma_start3A_264 = tpu.memref_slice %arg12[%add3A_11, %dma_start3A_263] : memref<5120x144xf32, #tpu.memory_space<vmem_shared>> -> memref<80x144xf32, #tpu.memory_space<vmem_shared>>
      tpu.enqueue_dma source(%arg5 : memref<80x144xf32, #tpu.memory_space<hbm>>) target(%dma_start3A_264 : memref<80x144xf32, #tpu.memory_space<vmem_shared>>) target_semaphore(%run_scoped3A : memref<!tpu.dma_semaphore, #tpu.memory_space<semaphore_mem>>)
      %dma_wait3A_265 = arith.constant 0 : i32
      %dma_wait3A_266 = tpu.memref_slice %arg12[%add3A_11, %dma_wait3A_265] : memref<5120x144xf32, #tpu.memory_space<vmem_shared>> -> memref<80x144xf32, #tpu.memory_space<vmem_shared>>
      tpu.wait_dma2 semaphore(%run_scoped3A : memref<!tpu.dma_semaphore, #tpu.memory_space<semaphore_mem>>) src(%arg5 : memref<80x144xf32, #tpu.memory_space<hbm>>) dst(%dma_wait3A_266 : memref<80x144xf32, #tpu.memory_space<vmem_shared>>)
      tpu.yield
    }) : () -> ()
    %mul3A_12 = arith.constant 320 : i32
    %mul3A_13 = arith.muli %arg1, %mul3A_12 : i32
    %add3A_14 = arith.constant 240 : i32
    %add3A_15 = arith.addi %mul3A_13, %add3A_14 : i32
    "tpu.region"() ({
      %run_scoped3A = tpu.sem_alloc : memref<!tpu.dma_semaphore, #tpu.memory_space<semaphore_mem>>
      %dma_start3A_263 = arith.constant 0 : i32
      %dma_start3A_264 = tpu.memref_slice %arg12[%add3A_15, %dma_start3A_263] : memref<5120x144xf32, #tpu.memory_space<vmem_shared>> -> memref<80x144xf32, #tpu.memory_space<vmem_shared>>
      tpu.enqueue_dma source(%arg5 : memref<80x144xf32, #tpu.memory_space<hbm>>) target(%dma_start3A_264 : memref<80x144xf32, #tpu.memory_space<vmem_shared>>) target_semaphore(%run_scoped3A : memref<!tpu.dma_semaphore, #tpu.memory_space<semaphore_mem>>)
      %dma_wait3A_265 = arith.constant 0 : i32
      %dma_wait3A_266 = tpu.memref_slice %arg12[%add3A_15, %dma_wait3A_265] : memref<5120x144xf32, #tpu.memory_space<vmem_shared>> -> memref<80x144xf32, #tpu.memory_space<vmem_shared>>
      tpu.wait_dma2 semaphore(%run_scoped3A : memref<!tpu.dma_semaphore, #tpu.memory_space<semaphore_mem>>) src(%arg5 : memref<80x144xf32, #tpu.memory_space<hbm>>) dst(%dma_wait3A_266 : memref<80x144xf32, #tpu.memory_space<vmem_shared>>)
      tpu.yield
    }) : () -> ()
    %barrier3A = arith.constant 0 : index
    tpu.barrier barrier_id(%barrier3A)
    %iota3A = tpu.iota {dimensions = array<i32: 0>} : vector<16xi32>
    %mul3A_16 = arith.constant 20000 : i32
    %mul3A_17 = arith.muli %arg1, %mul3A_16 : i32
    %add3A_18 = arith.constant 0 : i32
    %add3A_19 = arith.addi %mul3A_17, %add3A_18 : i32
    "tpu.region"() ({
      %run_scoped3A = tpu.sem_alloc : memref<!tpu.dma_semaphore, #tpu.memory_space<semaphore_mem>>
      %dma_start3A_263 = tpu.memref_slice %arg3[%add3A_19] : memref<320000xi32, #tpu.memory_space<hbm>> -> memref<10000xi32, #tpu.memory_space<hbm>>
      %dma_start3A_264 = tpu.memref_slice %arg3[%add3A_19] : memref<320000xi32, #tpu.memory_space<hbm>> -> memref<10000xi32, #tpu.memory_space<hbm>>
      tpu.enqueue_dma source(%dma_start3A_264 : memref<10000xi32, #tpu.memory_space<hbm>>) target(%arg7 : memref<10000xi32, #tpu.memory_space<vmem>>) target_semaphore(%run_scoped3A : memref<!tpu.dma_semaphore, #tpu.memory_space<semaphore_mem>>)
      %dma_wait3A_265 = tpu.memref_slice %arg3[%add3A_19] : memref<320000xi32, #tpu.memory_space<hbm>> -> memref<10000xi32, #tpu.memory_space<hbm>>
      %dma_wait3A_266 = tpu.memref_slice %arg3[%add3A_19] : memref<320000xi32, #tpu.memory_space<hbm>> -> memref<10000xi32, #tpu.memory_space<hbm>>
      tpu.wait_dma2 semaphore(%run_scoped3A : memref<!tpu.dma_semaphore, #tpu.memory_space<semaphore_mem>>) src(%dma_wait3A_266 : memref<10000xi32, #tpu.memory_space<hbm>>) dst(%arg7 : memref<10000xi32, #tpu.memory_space<vmem>>)
      tpu.yield
    }) : () -> ()
    "tpu.region"() ({
      %run_scoped3A = tpu.sem_alloc : memref<!tpu.dma_semaphore, #tpu.memory_space<semaphore_mem>>
      %dma_start3A_263 = tpu.memref_slice %arg4[%add3A_19] : memref<320000xi32, #tpu.memory_space<hbm>> -> memref<10000xi32, #tpu.memory_space<hbm>>
      %dma_start3A_264 = tpu.memref_slice %arg4[%add3A_19] : memref<320000xi32, #tpu.memory_space<hbm>> -> memref<10000xi32, #tpu.memory_space<hbm>>
      tpu.enqueue_dma source(%dma_start3A_264 : memref<10000xi32, #tpu.memory_space<hbm>>) target(%arg8 : memref<10000xi32, #tpu.memory_space<vmem>>) target_semaphore(%run_scoped3A : memref<!tpu.dma_semaphore, #tpu.memory_space<semaphore_mem>>)
      %dma_wait3A_265 = tpu.memref_slice %arg4[%add3A_19] : memref<320000xi32, #tpu.memory_space<hbm>> -> memref<10000xi32, #tpu.memory_space<hbm>>
      %dma_wait3A_266 = tpu.memref_slice %arg4[%add3A_19] : memref<320000xi32, #tpu.memory_space<hbm>> -> memref<10000xi32, #tpu.memory_space<hbm>>
      tpu.wait_dma2 semaphore(%run_scoped3A : memref<!tpu.dma_semaphore, #tpu.memory_space<semaphore_mem>>) src(%dma_wait3A_266 : memref<10000xi32, #tpu.memory_space<hbm>>) dst(%arg8 : memref<10000xi32, #tpu.memory_space<vmem>>)
      tpu.yield
    }) : () -> ()
    %dma_start3A = arith.constant 0 : i32
    %dma_start3A_20 = tpu.memref_slice %arg7[%dma_start3A] : memref<10000xi32, #tpu.memory_space<vmem>> -> memref<80xi32, #tpu.memory_space<vmem>>
    %dma_start3A_21 = arith.constant 0 : i32
    %dma_start3A_22 = arith.constant 0 : i32
    %dma_start3A_23 = tpu.memref_slice %arg2[%dma_start3A_21, %dma_start3A_22] : memref<10000x144xf32, #tpu.memory_space<hbm>> -> memref<10000x144xf32, #tpu.memory_space<hbm>>
    tpu.enqueue_indirect_dma source(%dma_start3A_23 : memref<10000x144xf32, #tpu.memory_space<hbm>>) target(%arg10 : memref<80x144xf32, #tpu.memory_space<vmem>>) offsets(%dma_start3A_20 : memref<80xi32, #tpu.memory_space<vmem>>) semaphore(%arg13 : memref<!tpu.dma_semaphore, #tpu.memory_space<semaphore_mem>>)
    %scan3A = arith.constant 0 : i32
    %scan3A_24 = arith.constant 0 : i32
    %scan3A_25 = arith.constant 62 : i32
    %scan3A_26 = arith.addi %scan3A_24, %scan3A_25 : i32
    %scan3A_27 = arith.constant 1 : i32
    scf.for %scan3A_263 = %scan3A_24 to %scan3A_26 step %scan3A_27  : i32 {
      %mul3A_264 = arith.constant 2 : i32
      %mul3A_265 = arith.muli %mul3A_264, %scan3A_263 : i32
      %add3A_266 = arith.constant 1 : i32
      %add3A_267 = arith.addi %mul3A_265, %add3A_266 : i32
      %mul3A_268 = arith.constant 80 : i32
      %mul3A_269 = arith.muli %add3A_267, %mul3A_268 : i32
      %dma_start3A_270 = tpu.memref_slice %arg7[%mul3A_269] : memref<10000xi32, #tpu.memory_space<vmem>> -> memref<80xi32, #tpu.memory_space<vmem>>
      %dma_start3A_271 = arith.constant 0 : i32
      %dma_start3A_272 = arith.constant 0 : i32
      %dma_start3A_273 = tpu.memref_slice %arg2[%dma_start3A_271, %dma_start3A_272] : memref<10000x144xf32, #tpu.memory_space<hbm>> -> memref<10000x144xf32, #tpu.memory_space<hbm>>
      tpu.enqueue_indirect_dma source(%dma_start3A_273 : memref<10000x144xf32, #tpu.memory_space<hbm>>) target(%arg11 : memref<80x144xf32, #tpu.memory_space<vmem>>) offsets(%dma_start3A_270 : memref<80xi32, #tpu.memory_space<vmem>>) semaphore(%arg14 : memref<!tpu.dma_semaphore, #tpu.memory_space<semaphore_mem>>)
      %mul3A_274 = arith.constant 80 : i32
      %mul3A_275 = arith.muli %mul3A_265, %mul3A_274 : i32
      %dma_wait3A_276 = tpu.memref_slice %arg7[%mul3A_275] : memref<10000xi32, #tpu.memory_space<vmem>> -> memref<80xi32, #tpu.memory_space<vmem>>
      %dma_wait3A_277 = arith.constant 0 : i32
      %dma_wait3A_278 = arith.constant 0 : i32
      %dma_wait3A_279 = tpu.memref_slice %arg2[%dma_wait3A_277, %dma_wait3A_278] : memref<10000x144xf32, #tpu.memory_space<hbm>> -> memref<10000x144xf32, #tpu.memory_space<hbm>>
      tpu.wait_indirect_dma semaphore(%arg13 : memref<!tpu.dma_semaphore, #tpu.memory_space<semaphore_mem>>) src(%dma_wait3A_279 : memref<10000x144xf32, #tpu.memory_space<hbm>>) dst(%arg10 : memref<80x144xf32, #tpu.memory_space<vmem>>)
      %mul3A_280 = arith.constant 80 : i32
      %mul3A_281 = arith.muli %mul3A_265, %mul3A_280 : i32
      %add3A_282 = arith.constant 0 : i32
      %add3A_283 = arith.addi %mul3A_281, %add3A_282 : i32
      %get3A_284 = arith.index_cast %add3A_283 : i32 to index
      %get3A_285 = tpu.vector_load %arg8[%get3A_284] {strides = array<i32>} : memref<10000xi32, #tpu.memory_space<vmem>>, vector<16xi32>,
      %get3A_286 = vector.shape_cast %get3A_285 : vector<16xi32> to vector<16xi32>
      %sub3A_287 = vector.broadcast %mul3A_0 : i32 to vector<16xi32>
      %sub3A_288 = arith.subi %get3A_286, %sub3A_287 : vector<16xi32>
      %ge3A_289 = arith.constant 0 : i32
      %ge3A_290 = vector.broadcast %ge3A_289 : i32 to vector<16xi32>
      %ge3A_291 = arith.cmpi sge, %sub3A_288, %ge3A_290 : vector<16xi32>
      %lt3A_292 = arith.constant 5000 : i32
      %lt3A_293 = vector.broadcast %lt3A_292 : i32 to vector<16xi32>
      %lt3A_294 = arith.cmpi slt, %sub3A_288, %lt3A_293 : vector<16xi32>
      %and3A_295 = arith.andi %ge3A_291, %lt3A_294 : vector<16xi1>
      %add3A_296 = arith.constant 0 : i32
      %add3A_297 = arith.addi %mul3A_265, %add3A_296 : i32
      %and3A_298 = arith.constant 63 : i32
      %and3A_299 = arith.andi %add3A_297, %and3A_298 : i32
      %add3A_300 = arith.constant 5000 : i32
      %add3A_301 = arith.addi %add3A_300, %and3A_299 : i32
      %add3A_302 = vector.broadcast %add3A_301 : i32 to vector<16xi32>
      %add3A_303 = arith.addi %add3A_302, %iota3A : vector<16xi32>
      %select_n3A_304 = arith.select %and3A_295, %sub3A_288, %add3A_303 : vector<16xi1>, vector<16xi32>
      %swap3A_305 = arith.constant 0 : index
      %swap3A_306 = tpu.vector_load %arg9[%swap3A_305] {strides = array<i32>} : memref<80xi32, #tpu.memory_space<vmem>>, vector<16xi32>,
      %swap3A_307 = vector.shape_cast %swap3A_306 : vector<16xi32> to vector<16xi32>
      %swap3A_308 = vector.shape_cast %select_n3A_304 : vector<16xi32> to vector<16xi32>
      tpu.vector_store %arg9[%swap3A_305], %swap3A_308 {strides = array<i32>} : memref<80xi32, #tpu.memory_space<vmem>>, vector<16xi32>,
      %mul3A_309 = arith.constant 80 : i32
      %mul3A_310 = arith.muli %mul3A_265, %mul3A_309 : i32
      %add3A_311 = arith.constant 16 : i32
      %add3A_312 = arith.addi %mul3A_310, %add3A_311 : i32
      %get3A_313 = arith.index_cast %add3A_312 : i32 to index
      %get3A_314 = tpu.vector_load %arg8[%get3A_313] {strides = array<i32>} : memref<10000xi32, #tpu.memory_space<vmem>>, vector<16xi32>,
      %get3A_315 = vector.shape_cast %get3A_314 : vector<16xi32> to vector<16xi32>
      %sub3A_316 = vector.broadcast %mul3A_0 : i32 to vector<16xi32>
      %sub3A_317 = arith.subi %get3A_315, %sub3A_316 : vector<16xi32>
      %ge3A_318 = arith.constant 0 : i32
      %ge3A_319 = vector.broadcast %ge3A_318 : i32 to vector<16xi32>
      %ge3A_320 = arith.cmpi sge, %sub3A_317, %ge3A_319 : vector<16xi32>
      %lt3A_321 = arith.constant 5000 : i32
      %lt3A_322 = vector.broadcast %lt3A_321 : i32 to vector<16xi32>
      %lt3A_323 = arith.cmpi slt, %sub3A_317, %lt3A_322 : vector<16xi32>
      %and3A_324 = arith.andi %ge3A_320, %lt3A_323 : vector<16xi1>
      %add3A_325 = arith.constant 1 : i32
      %add3A_326 = arith.addi %mul3A_265, %add3A_325 : i32
      %and3A_327 = arith.constant 63 : i32
      %and3A_328 = arith.andi %add3A_326, %and3A_327 : i32
      %add3A_329 = arith.constant 5000 : i32
      %add3A_330 = arith.addi %add3A_329, %and3A_328 : i32
      %add3A_331 = vector.broadcast %add3A_330 : i32 to vector<16xi32>
      %add3A_332 = arith.addi %add3A_331, %iota3A : vector<16xi32>
      %select_n3A_333 = arith.select %and3A_324, %sub3A_317, %add3A_332 : vector<16xi1>, vector<16xi32>
      %swap3A_334 = arith.constant 16 : index
      %swap3A_335 = tpu.vector_load %arg9[%swap3A_334] {strides = array<i32>} : memref<80xi32, #tpu.memory_space<vmem>>, vector<16xi32>,
      %swap3A_336 = vector.shape_cast %swap3A_335 : vector<16xi32> to vector<16xi32>
      %swap3A_337 = vector.shape_cast %select_n3A_333 : vector<16xi32> to vector<16xi32>
      tpu.vector_store %arg9[%swap3A_334], %swap3A_337 {strides = array<i32>} : memref<80xi32, #tpu.memory_space<vmem>>, vector<16xi32>,
      %mul3A_338 = arith.constant 80 : i32
      %mul3A_339 = arith.muli %mul3A_265, %mul3A_338 : i32
      %add3A_340 = arith.constant 32 : i32
      %add3A_341 = arith.addi %mul3A_339, %add3A_340 : i32
      %get3A_342 = arith.index_cast %add3A_341 : i32 to index
      %get3A_343 = tpu.vector_load %arg8[%get3A_342] {strides = array<i32>} : memref<10000xi32, #tpu.memory_space<vmem>>, vector<16xi32>,
      %get3A_344 = vector.shape_cast %get3A_343 : vector<16xi32> to vector<16xi32>
      %sub3A_345 = vector.broadcast %mul3A_0 : i32 to vector<16xi32>
      %sub3A_346 = arith.subi %get3A_344, %sub3A_345 : vector<16xi32>
      %ge3A_347 = arith.constant 0 : i32
      %ge3A_348 = vector.broadcast %ge3A_347 : i32 to vector<16xi32>
      %ge3A_349 = arith.cmpi sge, %sub3A_346, %ge3A_348 : vector<16xi32>
      %lt3A_350 = arith.constant 5000 : i32
      %lt3A_351 = vector.broadcast %lt3A_350 : i32 to vector<16xi32>
      %lt3A_352 = arith.cmpi slt, %sub3A_346, %lt3A_351 : vector<16xi32>
      %and3A_353 = arith.andi %ge3A_349, %lt3A_352 : vector<16xi1>
      %add3A_354 = arith.constant 2 : i32
      %add3A_355 = arith.addi %mul3A_265, %add3A_354 : i32
      %and3A_356 = arith.constant 63 : i32
      %and3A_357 = arith.andi %add3A_355, %and3A_356 : i32
      %add3A_358 = arith.constant 5000 : i32
      %add3A_359 = arith.addi %add3A_358, %and3A_357 : i32
      %add3A_360 = vector.broadcast %add3A_359 : i32 to vector<16xi32>
      %add3A_361 = arith.addi %add3A_360, %iota3A : vector<16xi32>
      %select_n3A_362 = arith.select %and3A_353, %sub3A_346, %add3A_361 : vector<16xi1>, vector<16xi32>
      %swap3A_363 = arith.constant 32 : index
      %swap3A_364 = tpu.vector_load %arg9[%swap3A_363] {strides = array<i32>} : memref<80xi32, #tpu.memory_space<vmem>>, vector<16xi32>,
      %swap3A_365 = vector.shape_cast %swap3A_364 : vector<16xi32> to vector<16xi32>
      %swap3A_366 = vector.shape_cast %select_n3A_362 : vector<16xi32> to vector<16xi32>
      tpu.vector_store %arg9[%swap3A_363], %swap3A_366 {strides = array<i32>} : memref<80xi32, #tpu.memory_space<vmem>>, vector<16xi32>,
      %mul3A_367 = arith.constant 80 : i32
      %mul3A_368 = arith.muli %mul3A_265, %mul3A_367 : i32
      %add3A_369 = arith.constant 48 : i32
      %add3A_370 = arith.addi %mul3A_368, %add3A_369 : i32
      %get3A_371 = arith.index_cast %add3A_370 : i32 to index
      %get3A_372 = tpu.vector_load %arg8[%get3A_371] {strides = array<i32>} : memref<10000xi32, #tpu.memory_space<vmem>>, vector<16xi32>,
      %get3A_373 = vector.shape_cast %get3A_372 : vector<16xi32> to vector<16xi32>
      %sub3A_374 = vector.broadcast %mul3A_0 : i32 to vector<16xi32>
      %sub3A_375 = arith.subi %get3A_373, %sub3A_374 : vector<16xi32>
      %ge3A_376 = arith.constant 0 : i32
      %ge3A_377 = vector.broadcast %ge3A_376 : i32 to vector<16xi32>
      %ge3A_378 = arith.cmpi sge, %sub3A_375, %ge3A_377 : vector<16xi32>
      %lt3A_379 = arith.constant 5000 : i32
      %lt3A_380 = vector.broadcast %lt3A_379 : i32 to vector<16xi32>
      %lt3A_381 = arith.cmpi slt, %sub3A_375, %lt3A_380 : vector<16xi32>
      %and3A_382 = arith.andi %ge3A_378, %lt3A_381 : vector<16xi1>
      %add3A_383 = arith.constant 3 : i32
      %add3A_384 = arith.addi %mul3A_265, %add3A_383 : i32
      %and3A_385 = arith.constant 63 : i32
      %and3A_386 = arith.andi %add3A_384, %and3A_385 : i32
      %add3A_387 = arith.constant 5000 : i32
      %add3A_388 = arith.addi %add3A_387, %and3A_386 : i32
      %add3A_389 = vector.broadcast %add3A_388 : i32 to vector<16xi32>
      %add3A_390 = arith.addi %add3A_389, %iota3A : vector<16xi32>
      %select_n3A_391 = arith.select %and3A_382, %sub3A_375, %add3A_390 : vector<16xi1>, vector<16xi32>
      %swap3A_392 = arith.constant 48 : index
      %swap3A_393 = tpu.vector_load %arg9[%swap3A_392] {strides = array<i32>} : memref<80xi32, #tpu.memory_space<vmem>>, vector<16xi32>,
      %swap3A_394 = vector.shape_cast %swap3A_393 : vector<16xi32> to vector<16xi32>
      %swap3A_395 = vector.shape_cast %select_n3A_391 : vector<16xi32> to vector<16xi32>
      tpu.vector_store %arg9[%swap3A_392], %swap3A_395 {strides = array<i32>} : memref<80xi32, #tpu.memory_space<vmem>>, vector<16xi32>,
      %mul3A_396 = arith.constant 80 : i32
      %mul3A_397 = arith.muli %mul3A_265, %mul3A_396 : i32
      %add3A_398 = arith.constant 64 : i32
      %add3A_399 = arith.addi %mul3A_397, %add3A_398 : i32
      %get3A_400 = arith.index_cast %add3A_399 : i32 to index
      %get3A_401 = tpu.vector_load %arg8[%get3A_400] {strides = array<i32>} : memref<10000xi32, #tpu.memory_space<vmem>>, vector<16xi32>,
      %get3A_402 = vector.shape_cast %get3A_401 : vector<16xi32> to vector<16xi32>
      %sub3A_403 = vector.broadcast %mul3A_0 : i32 to vector<16xi32>
      %sub3A_404 = arith.subi %get3A_402, %sub3A_403 : vector<16xi32>
      %ge3A_405 = arith.constant 0 : i32
      %ge3A_406 = vector.broadcast %ge3A_405 : i32 to vector<16xi32>
      %ge3A_407 = arith.cmpi sge, %sub3A_404, %ge3A_406 : vector<16xi32>
      %lt3A_408 = arith.constant 5000 : i32
      %lt3A_409 = vector.broadcast %lt3A_408 : i32 to vector<16xi32>
      %lt3A_410 = arith.cmpi slt, %sub3A_404, %lt3A_409 : vector<16xi32>
      %and3A_411 = arith.andi %ge3A_407, %lt3A_410 : vector<16xi1>
      %add3A_412 = arith.constant 4 : i32
      %add3A_413 = arith.addi %mul3A_265, %add3A_412 : i32
      %and3A_414 = arith.constant 63 : i32
      %and3A_415 = arith.andi %add3A_413, %and3A_414 : i32
      %add3A_416 = arith.constant 5000 : i32
      %add3A_417 = arith.addi %add3A_416, %and3A_415 : i32
      %add3A_418 = vector.broadcast %add3A_417 : i32 to vector<16xi32>
      %add3A_419 = arith.addi %add3A_418, %iota3A : vector<16xi32>
      %select_n3A_420 = arith.select %and3A_411, %sub3A_404, %add3A_419 : vector<16xi1>, vector<16xi32>
      %swap3A_421 = arith.constant 64 : index
      %swap3A_422 = tpu.vector_load %arg9[%swap3A_421] {strides = array<i32>} : memref<80xi32, #tpu.memory_space<vmem>>, vector<16xi32>,
      %swap3A_423 = vector.shape_cast %swap3A_422 : vector<16xi32> to vector<16xi32>
      %swap3A_424 = vector.shape_cast %select_n3A_420 : vector<16xi32> to vector<16xi32>
      tpu.vector_store %arg9[%swap3A_421], %swap3A_424 {strides = array<i32>} : memref<80xi32, #tpu.memory_space<vmem>>, vector<16xi32>,
      "tpu.region"() ({
        %run_scoped3A = tpu.sem_alloc : memref<!tpu.dma_semaphore, #tpu.memory_space<semaphore_mem>>
        %dma_start3A_584 = arith.constant 0 : i32
        %dma_start3A_585 = arith.constant 0 : i32
        %dma_start3A_586 = tpu.memref_slice %arg12[%dma_start3A_584, %dma_start3A_585] : memref<5120x144xf32, #tpu.memory_space<vmem_shared>> -> memref<5120x144xf32, #tpu.memory_space<vmem_shared>>
        tpu.enqueue_indirect_dma source(%arg10 : memref<80x144xf32, #tpu.memory_space<vmem>>) target(%dma_start3A_586 : memref<5120x144xf32, #tpu.memory_space<vmem_shared>>) offsets(%arg9 : memref<80xi32, #tpu.memory_space<vmem>>) semaphore(%run_scoped3A : memref<!tpu.dma_semaphore, #tpu.memory_space<semaphore_mem>>) {add = true}
        %dma_wait3A_587 = arith.constant 0 : i32
        %dma_wait3A_588 = arith.constant 0 : i32
        %dma_wait3A_589 = tpu.memref_slice %arg12[%dma_wait3A_587, %dma_wait3A_588] : memref<5120x144xf32, #tpu.memory_space<vmem_shared>> -> memref<5120x144xf32, #tpu.memory_space<vmem_shared>>
        tpu.wait_indirect_dma semaphore(%run_scoped3A : memref<!tpu.dma_semaphore, #tpu.memory_space<semaphore_mem>>) src(%arg10 : memref<80x144xf32, #tpu.memory_space<vmem>>) dst(%dma_wait3A_589 : memref<5120x144xf32, #tpu.memory_space<vmem_shared>>)
        tpu.yield
      }) : () -> ()
      %add3A_425 = arith.constant 2 : i32
      %add3A_426 = arith.addi %mul3A_265, %add3A_425 : i32
      %mul3A_427 = arith.constant 80 : i32
      %mul3A_428 = arith.muli %add3A_426, %mul3A_427 : i32
      %dma_start3A_429 = tpu.memref_slice %arg7[%mul3A_428] : memref<10000xi32, #tpu.memory_space<vmem>> -> memref<80xi32, #tpu.memory_space<vmem>>
      %dma_start3A_430 = arith.constant 0 : i32
      %dma_start3A_431 = arith.constant 0 : i32
      %dma_start3A_432 = tpu.memref_slice %arg2[%dma_start3A_430, %dma_start3A_431] : memref<10000x144xf32, #tpu.memory_space<hbm>> -> memref<10000x144xf32, #tpu.memory_space<hbm>>
      tpu.enqueue_indirect_dma source(%dma_start3A_432 : memref<10000x144xf32, #tpu.memory_space<hbm>>) target(%arg10 : memref<80x144xf32, #tpu.memory_space<vmem>>) offsets(%dma_start3A_429 : memref<80xi32, #tpu.memory_space<vmem>>) semaphore(%arg13 : memref<!tpu.dma_semaphore, #tpu.memory_space<semaphore_mem>>)
      %mul3A_433 = arith.constant 80 : i32
      %mul3A_434 = arith.muli %add3A_267, %mul3A_433 : i32
      %dma_wait3A_435 = tpu.memref_slice %arg7[%mul3A_434] : memref<10000xi32, #tpu.memory_space<vmem>> -> memref<80xi32, #tpu.memory_space<vmem>>
      %dma_wait3A_436 = arith.constant 0 : i32
      %dma_wait3A_437 = arith.constant 0 : i32
      %dma_wait3A_438 = tpu.memref_slice %arg2[%dma_wait3A_436, %dma_wait3A_437] : memref<10000x144xf32, #tpu.memory_space<hbm>> -> memref<10000x144xf32, #tpu.memory_space<hbm>>
      tpu.wait_indirect_dma semaphore(%arg14 : memref<!tpu.dma_semaphore, #tpu.memory_space<semaphore_mem>>) src(%dma_wait3A_438 : memref<10000x144xf32, #tpu.memory_space<hbm>>) dst(%arg11 : memref<80x144xf32, #tpu.memory_space<vmem>>)
      %mul3A_439 = arith.constant 80 : i32
      %mul3A_440 = arith.muli %add3A_267, %mul3A_439 : i32
      %add3A_441 = arith.constant 0 : i32
      %add3A_442 = arith.addi %mul3A_440, %add3A_441 : i32
      %get3A_443 = arith.index_cast %add3A_442 : i32 to index
      %get3A_444 = tpu.vector_load %arg8[%get3A_443] {strides = array<i32>} : memref<10000xi32, #tpu.memory_space<vmem>>, vector<16xi32>,
      %get3A_445 = vector.shape_cast %get3A_444 : vector<16xi32> to vector<16xi32>
      %sub3A_446 = vector.broadcast %mul3A_0 : i32 to vector<16xi32>
      %sub3A_447 = arith.subi %get3A_445, %sub3A_446 : vector<16xi32>
      %ge3A_448 = arith.constant 0 : i32
      %ge3A_449 = vector.broadcast %ge3A_448 : i32 to vector<16xi32>
      %ge3A_450 = arith.cmpi sge, %sub3A_447, %ge3A_449 : vector<16xi32>
      %lt3A_451 = arith.constant 5000 : i32
      %lt3A_452 = vector.broadcast %lt3A_451 : i32 to vector<16xi32>
      %lt3A_453 = arith.cmpi slt, %sub3A_447, %lt3A_452 : vector<16xi32>
      %and3A_454 = arith.andi %ge3A_450, %lt3A_453 : vector<16xi1>
      %add3A_455 = arith.constant 0 : i32
      %add3A_456 = arith.addi %add3A_267, %add3A_455 : i32
      %and3A_457 = arith.constant 63 : i32
      %and3A_458 = arith.andi %add3A_456, %and3A_457 : i32
      %add3A_459 = arith.constant 5000 : i32
      %add3A_460 = arith.addi %add3A_459, %and3A_458 : i32
      %add3A_461 = vector.broadcast %add3A_460 : i32 to vector<16xi32>
      %add3A_462 = arith.addi %add3A_461, %iota3A : vector<16xi32>
      %select_n3A_463 = arith.select %and3A_454, %sub3A_447, %add3A_462 : vector<16xi1>, vector<16xi32>
      %swap3A_464 = arith.constant 0 : index
      %swap3A_465 = tpu.vector_load %arg9[%swap3A_464] {strides = array<i32>} : memref<80xi32, #tpu.memory_space<vmem>>, vector<16xi32>,
      %swap3A_466 = vector.shape_cast %swap3A_465 : vector<16xi32> to vector<16xi32>
      %swap3A_467 = vector.shape_cast %select_n3A_463 : vector<16xi32> to vector<16xi32>
      tpu.vector_store %arg9[%swap3A_464], %swap3A_467 {strides = array<i32>} : memref<80xi32, #tpu.memory_space<vmem>>, vector<16xi32>,
      %mul3A_468 = arith.constant 80 : i32
      %mul3A_469 = arith.muli %add3A_267, %mul3A_468 : i32
      %add3A_470 = arith.constant 16 : i32
      %add3A_471 = arith.addi %mul3A_469, %add3A_470 : i32
      %get3A_472 = arith.index_cast %add3A_471 : i32 to index
      %get3A_473 = tpu.vector_load %arg8[%get3A_472] {strides = array<i32>} : memref<10000xi32, #tpu.memory_space<vmem>>, vector<16xi32>,
      %get3A_474 = vector.shape_cast %get3A_473 : vector<16xi32> to vector<16xi32>
      %sub3A_475 = vector.broadcast %mul3A_0 : i32 to vector<16xi32>
      %sub3A_476 = arith.subi %get3A_474, %sub3A_475 : vector<16xi32>
      %ge3A_477 = arith.constant 0 : i32
      %ge3A_478 = vector.broadcast %ge3A_477 : i32 to vector<16xi32>
      %ge3A_479 = arith.cmpi sge, %sub3A_476, %ge3A_478 : vector<16xi32>
      %lt3A_480 = arith.constant 5000 : i32
      %lt3A_481 = vector.broadcast %lt3A_480 : i32 to vector<16xi32>
      %lt3A_482 = arith.cmpi slt, %sub3A_476, %lt3A_481 : vector<16xi32>
      %and3A_483 = arith.andi %ge3A_479, %lt3A_482 : vector<16xi1>
      %add3A_484 = arith.constant 1 : i32
      %add3A_485 = arith.addi %add3A_267, %add3A_484 : i32
      %and3A_486 = arith.constant 63 : i32
      %and3A_487 = arith.andi %add3A_485, %and3A_486 : i32
      %add3A_488 = arith.constant 5000 : i32
      %add3A_489 = arith.addi %add3A_488, %and3A_487 : i32
      %add3A_490 = vector.broadcast %add3A_489 : i32 to vector<16xi32>
      %add3A_491 = arith.addi %add3A_490, %iota3A : vector<16xi32>
      %select_n3A_492 = arith.select %and3A_483, %sub3A_476, %add3A_491 : vector<16xi1>, vector<16xi32>
      %swap3A_493 = arith.constant 16 : index
      %swap3A_494 = tpu.vector_load %arg9[%swap3A_493] {strides = array<i32>} : memref<80xi32, #tpu.memory_space<vmem>>, vector<16xi32>,
      %swap3A_495 = vector.shape_cast %swap3A_494 : vector<16xi32> to vector<16xi32>
      %swap3A_496 = vector.shape_cast %select_n3A_492 : vector<16xi32> to vector<16xi32>
      tpu.vector_store %arg9[%swap3A_493], %swap3A_496 {strides = array<i32>} : memref<80xi32, #tpu.memory_space<vmem>>, vector<16xi32>,
      %mul3A_497 = arith.constant 80 : i32
      %mul3A_498 = arith.muli %add3A_267, %mul3A_497 : i32
      %add3A_499 = arith.constant 32 : i32
      %add3A_500 = arith.addi %mul3A_498, %add3A_499 : i32
      %get3A_501 = arith.index_cast %add3A_500 : i32 to index
      %get3A_502 = tpu.vector_load %arg8[%get3A_501] {strides = array<i32>} : memref<10000xi32, #tpu.memory_space<vmem>>, vector<16xi32>,
      %get3A_503 = vector.shape_cast %get3A_502 : vector<16xi32> to vector<16xi32>
      %sub3A_504 = vector.broadcast %mul3A_0 : i32 to vector<16xi32>
      %sub3A_505 = arith.subi %get3A_503, %sub3A_504 : vector<16xi32>
      %ge3A_506 = arith.constant 0 : i32
      %ge3A_507 = vector.broadcast %ge3A_506 : i32 to vector<16xi32>
      %ge3A_508 = arith.cmpi sge, %sub3A_505, %ge3A_507 : vector<16xi32>
      %lt3A_509 = arith.constant 5000 : i32
      %lt3A_510 = vector.broadcast %lt3A_509 : i32 to vector<16xi32>
      %lt3A_511 = arith.cmpi slt, %sub3A_505, %lt3A_510 : vector<16xi32>
      %and3A_512 = arith.andi %ge3A_508, %lt3A_511 : vector<16xi1>
      %add3A_513 = arith.constant 2 : i32
      %add3A_514 = arith.addi %add3A_267, %add3A_513 : i32
      %and3A_515 = arith.constant 63 : i32
      %and3A_516 = arith.andi %add3A_514, %and3A_515 : i32
      %add3A_517 = arith.constant 5000 : i32
      %add3A_518 = arith.addi %add3A_517, %and3A_516 : i32
      %add3A_519 = vector.broadcast %add3A_518 : i32 to vector<16xi32>
      %add3A_520 = arith.addi %add3A_519, %iota3A : vector<16xi32>
      %select_n3A_521 = arith.select %and3A_512, %sub3A_505, %add3A_520 : vector<16xi1>, vector<16xi32>
      %swap3A_522 = arith.constant 32 : index
      %swap3A_523 = tpu.vector_load %arg9[%swap3A_522] {strides = array<i32>} : memref<80xi32, #tpu.memory_space<vmem>>, vector<16xi32>,
      %swap3A_524 = vector.shape_cast %swap3A_523 : vector<16xi32> to vector<16xi32>
      %swap3A_525 = vector.shape_cast %select_n3A_521 : vector<16xi32> to vector<16xi32>
      tpu.vector_store %arg9[%swap3A_522], %swap3A_525 {strides = array<i32>} : memref<80xi32, #tpu.memory_space<vmem>>, vector<16xi32>,
      %mul3A_526 = arith.constant 80 : i32
      %mul3A_527 = arith.muli %add3A_267, %mul3A_526 : i32
      %add3A_528 = arith.constant 48 : i32
      %add3A_529 = arith.addi %mul3A_527, %add3A_528 : i32
      %get3A_530 = arith.index_cast %add3A_529 : i32 to index
      %get3A_531 = tpu.vector_load %arg8[%get3A_530] {strides = array<i32>} : memref<10000xi32, #tpu.memory_space<vmem>>, vector<16xi32>,
      %get3A_532 = vector.shape_cast %get3A_531 : vector<16xi32> to vector<16xi32>
      %sub3A_533 = vector.broadcast %mul3A_0 : i32 to vector<16xi32>
      %sub3A_534 = arith.subi %get3A_532, %sub3A_533 : vector<16xi32>
      %ge3A_535 = arith.constant 0 : i32
      %ge3A_536 = vector.broadcast %ge3A_535 : i32 to vector<16xi32>
      %ge3A_537 = arith.cmpi sge, %sub3A_534, %ge3A_536 : vector<16xi32>
      %lt3A_538 = arith.constant 5000 : i32
      %lt3A_539 = vector.broadcast %lt3A_538 : i32 to vector<16xi32>
      %lt3A_540 = arith.cmpi slt, %sub3A_534, %lt3A_539 : vector<16xi32>
      %and3A_541 = arith.andi %ge3A_537, %lt3A_540 : vector<16xi1>
      %add3A_542 = arith.constant 3 : i32
      %add3A_543 = arith.addi %add3A_267, %add3A_542 : i32
      %and3A_544 = arith.constant 63 : i32
      %and3A_545 = arith.andi %add3A_543, %and3A_544 : i32
      %add3A_546 = arith.constant 5000 : i32
      %add3A_547 = arith.addi %add3A_546, %and3A_545 : i32
      %add3A_548 = vector.broadcast %add3A_547 : i32 to vector<16xi32>
      %add3A_549 = arith.addi %add3A_548, %iota3A : vector<16xi32>
      %select_n3A_550 = arith.select %and3A_541, %sub3A_534, %add3A_549 : vector<16xi1>, vector<16xi32>
      %swap3A_551 = arith.constant 48 : index
      %swap3A_552 = tpu.vector_load %arg9[%swap3A_551] {strides = array<i32>} : memref<80xi32, #tpu.memory_space<vmem>>, vector<16xi32>,
      %swap3A_553 = vector.shape_cast %swap3A_552 : vector<16xi32> to vector<16xi32>
      %swap3A_554 = vector.shape_cast %select_n3A_550 : vector<16xi32> to vector<16xi32>
      tpu.vector_store %arg9[%swap3A_551], %swap3A_554 {strides = array<i32>} : memref<80xi32, #tpu.memory_space<vmem>>, vector<16xi32>,
      %mul3A_555 = arith.constant 80 : i32
      %mul3A_556 = arith.muli %add3A_267, %mul3A_555 : i32
      %add3A_557 = arith.constant 64 : i32
      %add3A_558 = arith.addi %mul3A_556, %add3A_557 : i32
      %get3A_559 = arith.index_cast %add3A_558 : i32 to index
      %get3A_560 = tpu.vector_load %arg8[%get3A_559] {strides = array<i32>} : memref<10000xi32, #tpu.memory_space<vmem>>, vector<16xi32>,
      %get3A_561 = vector.shape_cast %get3A_560 : vector<16xi32> to vector<16xi32>
      %sub3A_562 = vector.broadcast %mul3A_0 : i32 to vector<16xi32>
      %sub3A_563 = arith.subi %get3A_561, %sub3A_562 : vector<16xi32>
      %ge3A_564 = arith.constant 0 : i32
      %ge3A_565 = vector.broadcast %ge3A_564 : i32 to vector<16xi32>
      %ge3A_566 = arith.cmpi sge, %sub3A_563, %ge3A_565 : vector<16xi32>
      %lt3A_567 = arith.constant 5000 : i32
      %lt3A_568 = vector.broadcast %lt3A_567 : i32 to vector<16xi32>
      %lt3A_569 = arith.cmpi slt, %sub3A_563, %lt3A_568 : vector<16xi32>
      %and3A_570 = arith.andi %ge3A_566, %lt3A_569 : vector<16xi1>
      %add3A_571 = arith.constant 4 : i32
      %add3A_572 = arith.addi %add3A_267, %add3A_571 : i32
      %and3A_573 = arith.constant 63 : i32
      %and3A_574 = arith.andi %add3A_572, %and3A_573 : i32
      %add3A_575 = arith.constant 5000 : i32
      %add3A_576 = arith.addi %add3A_575, %and3A_574 : i32
      %add3A_577 = vector.broadcast %add3A_576 : i32 to vector<16xi32>
      %add3A_578 = arith.addi %add3A_577, %iota3A : vector<16xi32>
      %select_n3A_579 = arith.select %and3A_570, %sub3A_563, %add3A_578 : vector<16xi1>, vector<16xi32>
      %swap3A_580 = arith.constant 64 : index
      %swap3A_581 = tpu.vector_load %arg9[%swap3A_580] {strides = array<i32>} : memref<80xi32, #tpu.memory_space<vmem>>, vector<16xi32>,
      %swap3A_582 = vector.shape_cast %swap3A_581 : vector<16xi32> to vector<16xi32>
      %swap3A_583 = vector.shape_cast %select_n3A_579 : vector<16xi32> to vector<16xi32>
      tpu.vector_store %arg9[%swap3A_580], %swap3A_583 {strides = array<i32>} : memref<80xi32, #tpu.memory_space<vmem>>, vector<16xi32>,
      "tpu.region"() ({
        %run_scoped3A = tpu.sem_alloc : memref<!tpu.dma_semaphore, #tpu.memory_space<semaphore_mem>>
        %dma_start3A_584 = arith.constant 0 : i32
        %dma_start3A_585 = arith.constant 0 : i32
        %dma_start3A_586 = tpu.memref_slice %arg12[%dma_start3A_584, %dma_start3A_585] : memref<5120x144xf32, #tpu.memory_space<vmem_shared>> -> memref<5120x144xf32, #tpu.memory_space<vmem_shared>>
        tpu.enqueue_indirect_dma source(%arg11 : memref<80x144xf32, #tpu.memory_space<vmem>>) target(%dma_start3A_586 : memref<5120x144xf32, #tpu.memory_space<vmem_shared>>) offsets(%arg9 : memref<80xi32, #tpu.memory_space<vmem>>) semaphore(%run_scoped3A : memref<!tpu.dma_semaphore, #tpu.memory_space<semaphore_mem>>) {add = true}
        %dma_wait3A_587 = arith.constant 0 : i32
        %dma_wait3A_588 = arith.constant 0 : i32
        %dma_wait3A_589 = tpu.memref_slice %arg12[%dma_wait3A_587, %dma_wait3A_588] : memref<5120x144xf32, #tpu.memory_space<vmem_shared>> -> memref<5120x144xf32, #tpu.memory_space<vmem_shared>>
        tpu.wait_indirect_dma semaphore(%run_scoped3A : memref<!tpu.dma_semaphore, #tpu.memory_space<semaphore_mem>>) src(%arg11 : memref<80x144xf32, #tpu.memory_space<vmem>>) dst(%dma_wait3A_589 : memref<5120x144xf32, #tpu.memory_space<vmem_shared>>)
        tpu.yield
      }) : () -> ()
    }
    %scan3A_28 = arith.constant 62 : i32
    %dma_wait3A = arith.constant 9920 : i32
    %dma_wait3A_29 = tpu.memref_slice %arg7[%dma_wait3A] : memref<10000xi32, #tpu.memory_space<vmem>> -> memref<80xi32, #tpu.memory_space<vmem>>
    %dma_wait3A_30 = arith.constant 0 : i32
    %dma_wait3A_31 = arith.constant 0 : i32
    %dma_wait3A_32 = tpu.memref_slice %arg2[%dma_wait3A_30, %dma_wait3A_31] : memref<10000x144xf32, #tpu.memory_space<hbm>> -> memref<10000x144xf32, #tpu.memory_space<hbm>>
    tpu.wait_indirect_dma semaphore(%arg13 : memref<!tpu.dma_semaphore, #tpu.memory_space<semaphore_mem>>) src(%dma_wait3A_32 : memref<10000x144xf32, #tpu.memory_space<hbm>>) dst(%arg10 : memref<80x144xf32, #tpu.memory_space<vmem>>)
    %get3A = arith.constant 9920 : index
    %get3A_33 = tpu.vector_load %arg8[%get3A] {strides = array<i32>} : memref<10000xi32, #tpu.memory_space<vmem>>, vector<16xi32>,
    %get3A_34 = vector.shape_cast %get3A_33 : vector<16xi32> to vector<16xi32>
    %sub3A = vector.broadcast %mul3A_0 : i32 to vector<16xi32>
    %sub3A_35 = arith.subi %get3A_34, %sub3A : vector<16xi32>
    %ge3A = arith.constant 0 : i32
    %ge3A_36 = vector.broadcast %ge3A : i32 to vector<16xi32>
    %ge3A_37 = arith.cmpi sge, %sub3A_35, %ge3A_36 : vector<16xi32>
    %lt3A = arith.constant 5000 : i32
    %lt3A_38 = vector.broadcast %lt3A : i32 to vector<16xi32>
    %lt3A_39 = arith.cmpi slt, %sub3A_35, %lt3A_38 : vector<16xi32>
    %and3A = arith.andi %ge3A_37, %lt3A_39 : vector<16xi1>
    %add3A_40 = arith.constant 5060 : i32
    %add3A_41 = vector.broadcast %add3A_40 : i32 to vector<16xi32>
    %add3A_42 = arith.addi %add3A_41, %iota3A : vector<16xi32>
    %select_n3A = arith.select %and3A, %sub3A_35, %add3A_42 : vector<16xi1>, vector<16xi32>
    %swap3A = arith.constant 0 : index
    %swap3A_43 = tpu.vector_load %arg9[%swap3A] {strides = array<i32>} : memref<80xi32, #tpu.memory_space<vmem>>, vector<16xi32>,
    %swap3A_44 = vector.shape_cast %swap3A_43 : vector<16xi32> to vector<16xi32>
    %swap3A_45 = vector.shape_cast %select_n3A : vector<16xi32> to vector<16xi32>
    tpu.vector_store %arg9[%swap3A], %swap3A_45 {strides = array<i32>} : memref<80xi32, #tpu.memory_space<vmem>>, vector<16xi32>,
    %get3A_46 = arith.constant 9936 : index
    %get3A_47 = tpu.vector_load %arg8[%get3A_46] {strides = array<i32>} : memref<10000xi32, #tpu.memory_space<vmem>>, vector<16xi32>,
    %get3A_48 = vector.shape_cast %get3A_47 : vector<16xi32> to vector<16xi32>
    %sub3A_49 = vector.broadcast %mul3A_0 : i32 to vector<16xi32>
    %sub3A_50 = arith.subi %get3A_48, %sub3A_49 : vector<16xi32>
    %ge3A_51 = arith.constant 0 : i32
    %ge3A_52 = vector.broadcast %ge3A_51 : i32 to vector<16xi32>
    %ge3A_53 = arith.cmpi sge, %sub3A_50, %ge3A_52 : vector<16xi32>
    %lt3A_54 = arith.constant 5000 : i32
    %lt3A_55 = vector.broadcast %lt3A_54 : i32 to vector<16xi32>
    %lt3A_56 = arith.cmpi slt, %sub3A_50, %lt3A_55 : vector<16xi32>
    %and3A_57 = arith.andi %ge3A_53, %lt3A_56 : vector<16xi1>
    %add3A_58 = arith.constant 5061 : i32
    %add3A_59 = vector.broadcast %add3A_58 : i32 to vector<16xi32>
    %add3A_60 = arith.addi %add3A_59, %iota3A : vector<16xi32>
    %select_n3A_61 = arith.select %and3A_57, %sub3A_50, %add3A_60 : vector<16xi1>, vector<16xi32>
    %swap3A_62 = arith.constant 16 : index
    %swap3A_63 = tpu.vector_load %arg9[%swap3A_62] {strides = array<i32>} : memref<80xi32, #tpu.memory_space<vmem>>, vector<16xi32>,
    %swap3A_64 = vector.shape_cast %swap3A_63 : vector<16xi32> to vector<16xi32>
    %swap3A_65 = vector.shape_cast %select_n3A_61 : vector<16xi32> to vector<16xi32>
    tpu.vector_store %arg9[%swap3A_62], %swap3A_65 {strides = array<i32>} : memref<80xi32, #tpu.memory_space<vmem>>, vector<16xi32>,
    %get3A_66 = arith.constant 9952 : index
    %get3A_67 = tpu.vector_load %arg8[%get3A_66] {strides = array<i32>} : memref<10000xi32, #tpu.memory_space<vmem>>, vector<16xi32>,
    %get3A_68 = vector.shape_cast %get3A_67 : vector<16xi32> to vector<16xi32>
    %sub3A_69 = vector.broadcast %mul3A_0 : i32 to vector<16xi32>
    %sub3A_70 = arith.subi %get3A_68, %sub3A_69 : vector<16xi32>
    %ge3A_71 = arith.constant 0 : i32
    %ge3A_72 = vector.broadcast %ge3A_71 : i32 to vector<16xi32>
    %ge3A_73 = arith.cmpi sge, %sub3A_70, %ge3A_72 : vector<16xi32>
    %lt3A_74 = arith.constant 5000 : i32
    %lt3A_75 = vector.broadcast %lt3A_74 : i32 to vector<16xi32>
    %lt3A_76 = arith.cmpi slt, %sub3A_70, %lt3A_75 : vector<16xi32>
    %and3A_77 = arith.andi %ge3A_73, %lt3A_76 : vector<16xi1>
    %add3A_78 = arith.constant 5062 : i32
    %add3A_79 = vector.broadcast %add3A_78 : i32 to vector<16xi32>
    %add3A_80 = arith.addi %add3A_79, %iota3A : vector<16xi32>
    %select_n3A_81 = arith.select %and3A_77, %sub3A_70, %add3A_80 : vector<16xi1>, vector<16xi32>
    %swap3A_82 = arith.constant 32 : index
    %swap3A_83 = tpu.vector_load %arg9[%swap3A_82] {strides = array<i32>} : memref<80xi32, #tpu.memory_space<vmem>>, vector<16xi32>,
    %swap3A_84 = vector.shape_cast %swap3A_83 : vector<16xi32> to vector<16xi32>
    %swap3A_85 = vector.shape_cast %select_n3A_81 : vector<16xi32> to vector<16xi32>
    tpu.vector_store %arg9[%swap3A_82], %swap3A_85 {strides = array<i32>} : memref<80xi32, #tpu.memory_space<vmem>>, vector<16xi32>,
    %get3A_86 = arith.constant 9968 : index
    %get3A_87 = tpu.vector_load %arg8[%get3A_86] {strides = array<i32>} : memref<10000xi32, #tpu.memory_space<vmem>>, vector<16xi32>,
    %get3A_88 = vector.shape_cast %get3A_87 : vector<16xi32> to vector<16xi32>
    %sub3A_89 = vector.broadcast %mul3A_0 : i32 to vector<16xi32>
    %sub3A_90 = arith.subi %get3A_88, %sub3A_89 : vector<16xi32>
    %ge3A_91 = arith.constant 0 : i32
    %ge3A_92 = vector.broadcast %ge3A_91 : i32 to vector<16xi32>
    %ge3A_93 = arith.cmpi sge, %sub3A_90, %ge3A_92 : vector<16xi32>
    %lt3A_94 = arith.constant 5000 : i32
    %lt3A_95 = vector.broadcast %lt3A_94 : i32 to vector<16xi32>
    %lt3A_96 = arith.cmpi slt, %sub3A_90, %lt3A_95 : vector<16xi32>
    %and3A_97 = arith.andi %ge3A_93, %lt3A_96 : vector<16xi1>
    %add3A_98 = arith.constant 5063 : i32
    %add3A_99 = vector.broadcast %add3A_98 : i32 to vector<16xi32>
    %add3A_100 = arith.addi %add3A_99, %iota3A : vector<16xi32>
    %select_n3A_101 = arith.select %and3A_97, %sub3A_90, %add3A_100 : vector<16xi1>, vector<16xi32>
    %swap3A_102 = arith.constant 48 : index
    %swap3A_103 = tpu.vector_load %arg9[%swap3A_102] {strides = array<i32>} : memref<80xi32, #tpu.memory_space<vmem>>, vector<16xi32>,
    %swap3A_104 = vector.shape_cast %swap3A_103 : vector<16xi32> to vector<16xi32>
    %swap3A_105 = vector.shape_cast %select_n3A_101 : vector<16xi32> to vector<16xi32>
    tpu.vector_store %arg9[%swap3A_102], %swap3A_105 {strides = array<i32>} : memref<80xi32, #tpu.memory_space<vmem>>, vector<16xi32>,
    %get3A_106 = arith.constant 9984 : index
    %get3A_107 = tpu.vector_load %arg8[%get3A_106] {strides = array<i32>} : memref<10000xi32, #tpu.memory_space<vmem>>, vector<16xi32>,
    %get3A_108 = vector.shape_cast %get3A_107 : vector<16xi32> to vector<16xi32>
    %sub3A_109 = vector.broadcast %mul3A_0 : i32 to vector<16xi32>
    %sub3A_110 = arith.subi %get3A_108, %sub3A_109 : vector<16xi32>
    %ge3A_111 = arith.constant 0 : i32
    %ge3A_112 = vector.broadcast %ge3A_111 : i32 to vector<16xi32>
    %ge3A_113 = arith.cmpi sge, %sub3A_110, %ge3A_112 : vector<16xi32>
    %lt3A_114 = arith.constant 5000 : i32
    %lt3A_115 = vector.broadcast %lt3A_114 : i32 to vector<16xi32>
    %lt3A_116 = arith.cmpi slt, %sub3A_110, %lt3A_115 : vector<16xi32>
    %and3A_117 = arith.andi %ge3A_113, %lt3A_116 : vector<16xi1>
    %add3A_118 = arith.constant 5000 : i32
    %add3A_119 = vector.broadcast %add3A_118 : i32 to vector<16xi32>
    %add3A_120 = arith.addi %add3A_119, %iota3A : vector<16xi32>
    %select_n3A_121 = arith.select %and3A_117, %sub3A_110, %add3A_120 : vector<16xi1>, vector<16xi32>
    %swap3A_122 = arith.constant 64 : index
    %swap3A_123 = tpu.vector_load %arg9[%swap3A_122] {strides = array<i32>} : memref<80xi32, #tpu.memory_space<vmem>>, vector<16xi32>,
    %swap3A_124 = vector.shape_cast %swap3A_123 : vector<16xi32> to vector<16xi32>
    %swap3A_125 = vector.shape_cast %select_n3A_121 : vector<16xi32> to vector<16xi32>
    tpu.vector_store %arg9[%swap3A_122], %swap3A_125 {strides = array<i32>} : memref<80xi32, #tpu.memory_space<vmem>>, vector<16xi32>,
    "tpu.region"() ({
      %run_scoped3A = tpu.sem_alloc : memref<!tpu.dma_semaphore, #tpu.memory_space<semaphore_mem>>
      %dma_start3A_263 = arith.constant 0 : i32
      %dma_start3A_264 = arith.constant 0 : i32
      %dma_start3A_265 = tpu.memref_slice %arg12[%dma_start3A_263, %dma_start3A_264] : memref<5120x144xf32, #tpu.memory_space<vmem_shared>> -> memref<5120x144xf32, #tpu.memory_space<vmem_shared>>
      tpu.enqueue_indirect_dma source(%arg10 : memref<80x144xf32, #tpu.memory_space<vmem>>) target(%dma_start3A_265 : memref<5120x144xf32, #tpu.memory_space<vmem_shared>>) offsets(%arg9 : memref<80xi32, #tpu.memory_space<vmem>>) semaphore(%run_scoped3A : memref<!tpu.dma_semaphore, #tpu.memory_space<semaphore_mem>>) {add = true}
      %dma_wait3A_266 = arith.constant 0 : i32
      %dma_wait3A_267 = arith.constant 0 : i32
      %dma_wait3A_268 = tpu.memref_slice %arg12[%dma_wait3A_266, %dma_wait3A_267] : memref<5120x144xf32, #tpu.memory_space<vmem_shared>> -> memref<5120x144xf32, #tpu.memory_space<vmem_shared>>
      tpu.wait_indirect_dma semaphore(%run_scoped3A : memref<!tpu.dma_semaphore, #tpu.memory_space<semaphore_mem>>) src(%arg10 : memref<80x144xf32, #tpu.memory_space<vmem>>) dst(%dma_wait3A_268 : memref<5120x144xf32, #tpu.memory_space<vmem_shared>>)
      tpu.yield
    }) : () -> ()
    %mul3A_126 = arith.constant 20000 : i32
    %mul3A_127 = arith.muli %arg1, %mul3A_126 : i32
    %add3A_128 = arith.constant 10000 : i32
    %add3A_129 = arith.addi %mul3A_127, %add3A_128 : i32
    "tpu.region"() ({
      %run_scoped3A = tpu.sem_alloc : memref<!tpu.dma_semaphore, #tpu.memory_space<semaphore_mem>>
      %dma_start3A_263 = tpu.memref_slice %arg3[%add3A_129] : memref<320000xi32, #tpu.memory_space<hbm>> -> memref<10000xi32, #tpu.memory_space<hbm>>
      %dma_start3A_264 = tpu.memref_slice %arg3[%add3A_129] : memref<320000xi32, #tpu.memory_space<hbm>> -> memref<10000xi32, #tpu.memory_space<hbm>>
      tpu.enqueue_dma source(%dma_start3A_264 : memref<10000xi32, #tpu.memory_space<hbm>>) target(%arg7 : memref<10000xi32, #tpu.memory_space<vmem>>) target_semaphore(%run_scoped3A : memref<!tpu.dma_semaphore, #tpu.memory_space<semaphore_mem>>)
      %dma_wait3A_265 = tpu.memref_slice %arg3[%add3A_129] : memref<320000xi32, #tpu.memory_space<hbm>> -> memref<10000xi32, #tpu.memory_space<hbm>>
      %dma_wait3A_266 = tpu.memref_slice %arg3[%add3A_129] : memref<320000xi32, #tpu.memory_space<hbm>> -> memref<10000xi32, #tpu.memory_space<hbm>>
      tpu.wait_dma2 semaphore(%run_scoped3A : memref<!tpu.dma_semaphore, #tpu.memory_space<semaphore_mem>>) src(%dma_wait3A_266 : memref<10000xi32, #tpu.memory_space<hbm>>) dst(%arg7 : memref<10000xi32, #tpu.memory_space<vmem>>)
      tpu.yield
    }) : () -> ()
    "tpu.region"() ({
      %run_scoped3A = tpu.sem_alloc : memref<!tpu.dma_semaphore, #tpu.memory_space<semaphore_mem>>
      %dma_start3A_263 = tpu.memref_slice %arg4[%add3A_129] : memref<320000xi32, #tpu.memory_space<hbm>> -> memref<10000xi32, #tpu.memory_space<hbm>>
      %dma_start3A_264 = tpu.memref_slice %arg4[%add3A_129] : memref<320000xi32, #tpu.memory_space<hbm>> -> memref<10000xi32, #tpu.memory_space<hbm>>
      tpu.enqueue_dma source(%dma_start3A_264 : memref<10000xi32, #tpu.memory_space<hbm>>) target(%arg8 : memref<10000xi32, #tpu.memory_space<vmem>>) target_semaphore(%run_scoped3A : memref<!tpu.dma_semaphore, #tpu.memory_space<semaphore_mem>>)
      %dma_wait3A_265 = tpu.memref_slice %arg4[%add3A_129] : memref<320000xi32, #tpu.memory_space<hbm>> -> memref<10000xi32, #tpu.memory_space<hbm>>
      %dma_wait3A_266 = tpu.memref_slice %arg4[%add3A_129] : memref<320000xi32, #tpu.memory_space<hbm>> -> memref<10000xi32, #tpu.memory_space<hbm>>
      tpu.wait_dma2 semaphore(%run_scoped3A : memref<!tpu.dma_semaphore, #tpu.memory_space<semaphore_mem>>) src(%dma_wait3A_266 : memref<10000xi32, #tpu.memory_space<hbm>>) dst(%arg8 : memref<10000xi32, #tpu.memory_space<vmem>>)
      tpu.yield
    }) : () -> ()
    %dma_start3A_130 = arith.constant 0 : i32
    %dma_start3A_131 = tpu.memref_slice %arg7[%dma_start3A_130] : memref<10000xi32, #tpu.memory_space<vmem>> -> memref<80xi32, #tpu.memory_space<vmem>>
    %dma_start3A_132 = arith.constant 0 : i32
    %dma_start3A_133 = arith.constant 0 : i32
    %dma_start3A_134 = tpu.memref_slice %arg2[%dma_start3A_132, %dma_start3A_133] : memref<10000x144xf32, #tpu.memory_space<hbm>> -> memref<10000x144xf32, #tpu.memory_space<hbm>>
    tpu.enqueue_indirect_dma source(%dma_start3A_134 : memref<10000x144xf32, #tpu.memory_space<hbm>>) target(%arg10 : memref<80x144xf32, #tpu.memory_space<vmem>>) offsets(%dma_start3A_131 : memref<80xi32, #tpu.memory_space<vmem>>) semaphore(%arg13 : memref<!tpu.dma_semaphore, #tpu.memory_space<semaphore_mem>>)
    %scan3A_135 = arith.constant 0 : i32
    %scan3A_136 = arith.constant 0 : i32
    %scan3A_137 = arith.constant 62 : i32
    %scan3A_138 = arith.addi %scan3A_136, %scan3A_137 : i32
    %scan3A_139 = arith.constant 1 : i32
    scf.for %scan3A_263 = %scan3A_136 to %scan3A_138 step %scan3A_139  : i32 {
      %mul3A_264 = arith.constant 2 : i32
      %mul3A_265 = arith.muli %mul3A_264, %scan3A_263 : i32
      %add3A_266 = arith.constant 1 : i32
      %add3A_267 = arith.addi %mul3A_265, %add3A_266 : i32
      %mul3A_268 = arith.constant 80 : i32
      %mul3A_269 = arith.muli %add3A_267, %mul3A_268 : i32
      %dma_start3A_270 = tpu.memref_slice %arg7[%mul3A_269] : memref<10000xi32, #tpu.memory_space<vmem>> -> memref<80xi32, #tpu.memory_space<vmem>>
      %dma_start3A_271 = arith.constant 0 : i32
      %dma_start3A_272 = arith.constant 0 : i32
      %dma_start3A_273 = tpu.memref_slice %arg2[%dma_start3A_271, %dma_start3A_272] : memref<10000x144xf32, #tpu.memory_space<hbm>> -> memref<10000x144xf32, #tpu.memory_space<hbm>>
      tpu.enqueue_indirect_dma source(%dma_start3A_273 : memref<10000x144xf32, #tpu.memory_space<hbm>>) target(%arg11 : memref<80x144xf32, #tpu.memory_space<vmem>>) offsets(%dma_start3A_270 : memref<80xi32, #tpu.memory_space<vmem>>) semaphore(%arg14 : memref<!tpu.dma_semaphore, #tpu.memory_space<semaphore_mem>>)
      %mul3A_274 = arith.constant 80 : i32
      %mul3A_275 = arith.muli %mul3A_265, %mul3A_274 : i32
      %dma_wait3A_276 = tpu.memref_slice %arg7[%mul3A_275] : memref<10000xi32, #tpu.memory_space<vmem>> -> memref<80xi32, #tpu.memory_space<vmem>>
      %dma_wait3A_277 = arith.constant 0 : i32
      %dma_wait3A_278 = arith.constant 0 : i32
      %dma_wait3A_279 = tpu.memref_slice %arg2[%dma_wait3A_277, %dma_wait3A_278] : memref<10000x144xf32, #tpu.memory_space<hbm>> -> memref<10000x144xf32, #tpu.memory_space<hbm>>
      tpu.wait_indirect_dma semaphore(%arg13 : memref<!tpu.dma_semaphore, #tpu.memory_space<semaphore_mem>>) src(%dma_wait3A_279 : memref<10000x144xf32, #tpu.memory_space<hbm>>) dst(%arg10 : memref<80x144xf32, #tpu.memory_space<vmem>>)
      %mul3A_280 = arith.constant 80 : i32
      %mul3A_281 = arith.muli %mul3A_265, %mul3A_280 : i32
      %add3A_282 = arith.constant 0 : i32
      %add3A_283 = arith.addi %mul3A_281, %add3A_282 : i32
      %get3A_284 = arith.index_cast %add3A_283 : i32 to index
      %get3A_285 = tpu.vector_load %arg8[%get3A_284] {strides = array<i32>} : memref<10000xi32, #tpu.memory_space<vmem>>, vector<16xi32>,
      %get3A_286 = vector.shape_cast %get3A_285 : vector<16xi32> to vector<16xi32>
      %sub3A_287 = vector.broadcast %mul3A_0 : i32 to vector<16xi32>
      %sub3A_288 = arith.subi %get3A_286, %sub3A_287 : vector<16xi32>
      %ge3A_289 = arith.constant 0 : i32
      %ge3A_290 = vector.broadcast %ge3A_289 : i32 to vector<16xi32>
      %ge3A_291 = arith.cmpi sge, %sub3A_288, %ge3A_290 : vector<16xi32>
      %lt3A_292 = arith.constant 5000 : i32
      %lt3A_293 = vector.broadcast %lt3A_292 : i32 to vector<16xi32>
      %lt3A_294 = arith.cmpi slt, %sub3A_288, %lt3A_293 : vector<16xi32>
      %and3A_295 = arith.andi %ge3A_291, %lt3A_294 : vector<16xi1>
      %add3A_296 = arith.constant 0 : i32
      %add3A_297 = arith.addi %mul3A_265, %add3A_296 : i32
      %and3A_298 = arith.constant 63 : i32
      %and3A_299 = arith.andi %add3A_297, %and3A_298 : i32
      %add3A_300 = arith.constant 5000 : i32
      %add3A_301 = arith.addi %add3A_300, %and3A_299 : i32
      %add3A_302 = vector.broadcast %add3A_301 : i32 to vector<16xi32>
      %add3A_303 = arith.addi %add3A_302, %iota3A : vector<16xi32>
      %select_n3A_304 = arith.select %and3A_295, %sub3A_288, %add3A_303 : vector<16xi1>, vector<16xi32>
      %swap3A_305 = arith.constant 0 : index
      %swap3A_306 = tpu.vector_load %arg9[%swap3A_305] {strides = array<i32>} : memref<80xi32, #tpu.memory_space<vmem>>, vector<16xi32>,
      %swap3A_307 = vector.shape_cast %swap3A_306 : vector<16xi32> to vector<16xi32>
      %swap3A_308 = vector.shape_cast %select_n3A_304 : vector<16xi32> to vector<16xi32>
      tpu.vector_store %arg9[%swap3A_305], %swap3A_308 {strides = array<i32>} : memref<80xi32, #tpu.memory_space<vmem>>, vector<16xi32>,
      %mul3A_309 = arith.constant 80 : i32
      %mul3A_310 = arith.muli %mul3A_265, %mul3A_309 : i32
      %add3A_311 = arith.constant 16 : i32
      %add3A_312 = arith.addi %mul3A_310, %add3A_311 : i32
      %get3A_313 = arith.index_cast %add3A_312 : i32 to index
      %get3A_314 = tpu.vector_load %arg8[%get3A_313] {strides = array<i32>} : memref<10000xi32, #tpu.memory_space<vmem>>, vector<16xi32>,
      %get3A_315 = vector.shape_cast %get3A_314 : vector<16xi32> to vector<16xi32>
      %sub3A_316 = vector.broadcast %mul3A_0 : i32 to vector<16xi32>
      %sub3A_317 = arith.subi %get3A_315, %sub3A_316 : vector<16xi32>
      %ge3A_318 = arith.constant 0 : i32
      %ge3A_319 = vector.broadcast %ge3A_318 : i32 to vector<16xi32>
      %ge3A_320 = arith.cmpi sge, %sub3A_317, %ge3A_319 : vector<16xi32>
      %lt3A_321 = arith.constant 5000 : i32
      %lt3A_322 = vector.broadcast %lt3A_321 : i32 to vector<16xi32>
      %lt3A_323 = arith.cmpi slt, %sub3A_317, %lt3A_322 : vector<16xi32>
      %and3A_324 = arith.andi %ge3A_320, %lt3A_323 : vector<16xi1>
      %add3A_325 = arith.constant 1 : i32
      %add3A_326 = arith.addi %mul3A_265, %add3A_325 : i32
      %and3A_327 = arith.constant 63 : i32
      %and3A_328 = arith.andi %add3A_326, %and3A_327 : i32
      %add3A_329 = arith.constant 5000 : i32
      %add3A_330 = arith.addi %add3A_329, %and3A_328 : i32
      %add3A_331 = vector.broadcast %add3A_330 : i32 to vector<16xi32>
      %add3A_332 = arith.addi %add3A_331, %iota3A : vector<16xi32>
      %select_n3A_333 = arith.select %and3A_324, %sub3A_317, %add3A_332 : vector<16xi1>, vector<16xi32>
      %swap3A_334 = arith.constant 16 : index
      %swap3A_335 = tpu.vector_load %arg9[%swap3A_334] {strides = array<i32>} : memref<80xi32, #tpu.memory_space<vmem>>, vector<16xi32>,
      %swap3A_336 = vector.shape_cast %swap3A_335 : vector<16xi32> to vector<16xi32>
      %swap3A_337 = vector.shape_cast %select_n3A_333 : vector<16xi32> to vector<16xi32>
      tpu.vector_store %arg9[%swap3A_334], %swap3A_337 {strides = array<i32>} : memref<80xi32, #tpu.memory_space<vmem>>, vector<16xi32>,
      %mul3A_338 = arith.constant 80 : i32
      %mul3A_339 = arith.muli %mul3A_265, %mul3A_338 : i32
      %add3A_340 = arith.constant 32 : i32
      %add3A_341 = arith.addi %mul3A_339, %add3A_340 : i32
      %get3A_342 = arith.index_cast %add3A_341 : i32 to index
      %get3A_343 = tpu.vector_load %arg8[%get3A_342] {strides = array<i32>} : memref<10000xi32, #tpu.memory_space<vmem>>, vector<16xi32>,
      %get3A_344 = vector.shape_cast %get3A_343 : vector<16xi32> to vector<16xi32>
      %sub3A_345 = vector.broadcast %mul3A_0 : i32 to vector<16xi32>
      %sub3A_346 = arith.subi %get3A_344, %sub3A_345 : vector<16xi32>
      %ge3A_347 = arith.constant 0 : i32
      %ge3A_348 = vector.broadcast %ge3A_347 : i32 to vector<16xi32>
      %ge3A_349 = arith.cmpi sge, %sub3A_346, %ge3A_348 : vector<16xi32>
      %lt3A_350 = arith.constant 5000 : i32
      %lt3A_351 = vector.broadcast %lt3A_350 : i32 to vector<16xi32>
      %lt3A_352 = arith.cmpi slt, %sub3A_346, %lt3A_351 : vector<16xi32>
      %and3A_353 = arith.andi %ge3A_349, %lt3A_352 : vector<16xi1>
      %add3A_354 = arith.constant 2 : i32
      %add3A_355 = arith.addi %mul3A_265, %add3A_354 : i32
      %and3A_356 = arith.constant 63 : i32
      %and3A_357 = arith.andi %add3A_355, %and3A_356 : i32
      %add3A_358 = arith.constant 5000 : i32
      %add3A_359 = arith.addi %add3A_358, %and3A_357 : i32
      %add3A_360 = vector.broadcast %add3A_359 : i32 to vector<16xi32>
      %add3A_361 = arith.addi %add3A_360, %iota3A : vector<16xi32>
      %select_n3A_362 = arith.select %and3A_353, %sub3A_346, %add3A_361 : vector<16xi1>, vector<16xi32>
      %swap3A_363 = arith.constant 32 : index
      %swap3A_364 = tpu.vector_load %arg9[%swap3A_363] {strides = array<i32>} : memref<80xi32, #tpu.memory_space<vmem>>, vector<16xi32>,
      %swap3A_365 = vector.shape_cast %swap3A_364 : vector<16xi32> to vector<16xi32>
      %swap3A_366 = vector.shape_cast %select_n3A_362 : vector<16xi32> to vector<16xi32>
      tpu.vector_store %arg9[%swap3A_363], %swap3A_366 {strides = array<i32>} : memref<80xi32, #tpu.memory_space<vmem>>, vector<16xi32>,
      %mul3A_367 = arith.constant 80 : i32
      %mul3A_368 = arith.muli %mul3A_265, %mul3A_367 : i32
      %add3A_369 = arith.constant 48 : i32
      %add3A_370 = arith.addi %mul3A_368, %add3A_369 : i32
      %get3A_371 = arith.index_cast %add3A_370 : i32 to index
      %get3A_372 = tpu.vector_load %arg8[%get3A_371] {strides = array<i32>} : memref<10000xi32, #tpu.memory_space<vmem>>, vector<16xi32>,
      %get3A_373 = vector.shape_cast %get3A_372 : vector<16xi32> to vector<16xi32>
      %sub3A_374 = vector.broadcast %mul3A_0 : i32 to vector<16xi32>
      %sub3A_375 = arith.subi %get3A_373, %sub3A_374 : vector<16xi32>
      %ge3A_376 = arith.constant 0 : i32
      %ge3A_377 = vector.broadcast %ge3A_376 : i32 to vector<16xi32>
      %ge3A_378 = arith.cmpi sge, %sub3A_375, %ge3A_377 : vector<16xi32>
      %lt3A_379 = arith.constant 5000 : i32
      %lt3A_380 = vector.broadcast %lt3A_379 : i32 to vector<16xi32>
      %lt3A_381 = arith.cmpi slt, %sub3A_375, %lt3A_380 : vector<16xi32>
      %and3A_382 = arith.andi %ge3A_378, %lt3A_381 : vector<16xi1>
      %add3A_383 = arith.constant 3 : i32
      %add3A_384 = arith.addi %mul3A_265, %add3A_383 : i32
      %and3A_385 = arith.constant 63 : i32
      %and3A_386 = arith.andi %add3A_384, %and3A_385 : i32
      %add3A_387 = arith.constant 5000 : i32
      %add3A_388 = arith.addi %add3A_387, %and3A_386 : i32
      %add3A_389 = vector.broadcast %add3A_388 : i32 to vector<16xi32>
      %add3A_390 = arith.addi %add3A_389, %iota3A : vector<16xi32>
      %select_n3A_391 = arith.select %and3A_382, %sub3A_375, %add3A_390 : vector<16xi1>, vector<16xi32>
      %swap3A_392 = arith.constant 48 : index
      %swap3A_393 = tpu.vector_load %arg9[%swap3A_392] {strides = array<i32>} : memref<80xi32, #tpu.memory_space<vmem>>, vector<16xi32>,
      %swap3A_394 = vector.shape_cast %swap3A_393 : vector<16xi32> to vector<16xi32>
      %swap3A_395 = vector.shape_cast %select_n3A_391 : vector<16xi32> to vector<16xi32>
      tpu.vector_store %arg9[%swap3A_392], %swap3A_395 {strides = array<i32>} : memref<80xi32, #tpu.memory_space<vmem>>, vector<16xi32>,
      %mul3A_396 = arith.constant 80 : i32
      %mul3A_397 = arith.muli %mul3A_265, %mul3A_396 : i32
      %add3A_398 = arith.constant 64 : i32
      %add3A_399 = arith.addi %mul3A_397, %add3A_398 : i32
      %get3A_400 = arith.index_cast %add3A_399 : i32 to index
      %get3A_401 = tpu.vector_load %arg8[%get3A_400] {strides = array<i32>} : memref<10000xi32, #tpu.memory_space<vmem>>, vector<16xi32>,
      %get3A_402 = vector.shape_cast %get3A_401 : vector<16xi32> to vector<16xi32>
      %sub3A_403 = vector.broadcast %mul3A_0 : i32 to vector<16xi32>
      %sub3A_404 = arith.subi %get3A_402, %sub3A_403 : vector<16xi32>
      %ge3A_405 = arith.constant 0 : i32
      %ge3A_406 = vector.broadcast %ge3A_405 : i32 to vector<16xi32>
      %ge3A_407 = arith.cmpi sge, %sub3A_404, %ge3A_406 : vector<16xi32>
      %lt3A_408 = arith.constant 5000 : i32
      %lt3A_409 = vector.broadcast %lt3A_408 : i32 to vector<16xi32>
      %lt3A_410 = arith.cmpi slt, %sub3A_404, %lt3A_409 : vector<16xi32>
      %and3A_411 = arith.andi %ge3A_407, %lt3A_410 : vector<16xi1>
      %add3A_412 = arith.constant 4 : i32
      %add3A_413 = arith.addi %mul3A_265, %add3A_412 : i32
      %and3A_414 = arith.constant 63 : i32
      %and3A_415 = arith.andi %add3A_413, %and3A_414 : i32
      %add3A_416 = arith.constant 5000 : i32
      %add3A_417 = arith.addi %add3A_416, %and3A_415 : i32
      %add3A_418 = vector.broadcast %add3A_417 : i32 to vector<16xi32>
      %add3A_419 = arith.addi %add3A_418, %iota3A : vector<16xi32>
      %select_n3A_420 = arith.select %and3A_411, %sub3A_404, %add3A_419 : vector<16xi1>, vector<16xi32>
      %swap3A_421 = arith.constant 64 : index
      %swap3A_422 = tpu.vector_load %arg9[%swap3A_421] {strides = array<i32>} : memref<80xi32, #tpu.memory_space<vmem>>, vector<16xi32>,
      %swap3A_423 = vector.shape_cast %swap3A_422 : vector<16xi32> to vector<16xi32>
      %swap3A_424 = vector.shape_cast %select_n3A_420 : vector<16xi32> to vector<16xi32>
      tpu.vector_store %arg9[%swap3A_421], %swap3A_424 {strides = array<i32>} : memref<80xi32, #tpu.memory_space<vmem>>, vector<16xi32>,
      "tpu.region"() ({
        %run_scoped3A = tpu.sem_alloc : memref<!tpu.dma_semaphore, #tpu.memory_space<semaphore_mem>>
        %dma_start3A_584 = arith.constant 0 : i32
        %dma_start3A_585 = arith.constant 0 : i32
        %dma_start3A_586 = tpu.memref_slice %arg12[%dma_start3A_584, %dma_start3A_585] : memref<5120x144xf32, #tpu.memory_space<vmem_shared>> -> memref<5120x144xf32, #tpu.memory_space<vmem_shared>>
        tpu.enqueue_indirect_dma source(%arg10 : memref<80x144xf32, #tpu.memory_space<vmem>>) target(%dma_start3A_586 : memref<5120x144xf32, #tpu.memory_space<vmem_shared>>) offsets(%arg9 : memref<80xi32, #tpu.memory_space<vmem>>) semaphore(%run_scoped3A : memref<!tpu.dma_semaphore, #tpu.memory_space<semaphore_mem>>) {add = true}
        %dma_wait3A_587 = arith.constant 0 : i32
        %dma_wait3A_588 = arith.constant 0 : i32
        %dma_wait3A_589 = tpu.memref_slice %arg12[%dma_wait3A_587, %dma_wait3A_588] : memref<5120x144xf32, #tpu.memory_space<vmem_shared>> -> memref<5120x144xf32, #tpu.memory_space<vmem_shared>>
        tpu.wait_indirect_dma semaphore(%run_scoped3A : memref<!tpu.dma_semaphore, #tpu.memory_space<semaphore_mem>>) src(%arg10 : memref<80x144xf32, #tpu.memory_space<vmem>>) dst(%dma_wait3A_589 : memref<5120x144xf32, #tpu.memory_space<vmem_shared>>)
        tpu.yield
      }) : () -> ()
      %add3A_425 = arith.constant 2 : i32
      %add3A_426 = arith.addi %mul3A_265, %add3A_425 : i32
      %mul3A_427 = arith.constant 80 : i32
      %mul3A_428 = arith.muli %add3A_426, %mul3A_427 : i32
      %dma_start3A_429 = tpu.memref_slice %arg7[%mul3A_428] : memref<10000xi32, #tpu.memory_space<vmem>> -> memref<80xi32, #tpu.memory_space<vmem>>
      %dma_start3A_430 = arith.constant 0 : i32
      %dma_start3A_431 = arith.constant 0 : i32
      %dma_start3A_432 = tpu.memref_slice %arg2[%dma_start3A_430, %dma_start3A_431] : memref<10000x144xf32, #tpu.memory_space<hbm>> -> memref<10000x144xf32, #tpu.memory_space<hbm>>
      tpu.enqueue_indirect_dma source(%dma_start3A_432 : memref<10000x144xf32, #tpu.memory_space<hbm>>) target(%arg10 : memref<80x144xf32, #tpu.memory_space<vmem>>) offsets(%dma_start3A_429 : memref<80xi32, #tpu.memory_space<vmem>>) semaphore(%arg13 : memref<!tpu.dma_semaphore, #tpu.memory_space<semaphore_mem>>)
      %mul3A_433 = arith.constant 80 : i32
      %mul3A_434 = arith.muli %add3A_267, %mul3A_433 : i32
      %dma_wait3A_435 = tpu.memref_slice %arg7[%mul3A_434] : memref<10000xi32, #tpu.memory_space<vmem>> -> memref<80xi32, #tpu.memory_space<vmem>>
      %dma_wait3A_436 = arith.constant 0 : i32
      %dma_wait3A_437 = arith.constant 0 : i32
      %dma_wait3A_438 = tpu.memref_slice %arg2[%dma_wait3A_436, %dma_wait3A_437] : memref<10000x144xf32, #tpu.memory_space<hbm>> -> memref<10000x144xf32, #tpu.memory_space<hbm>>
      tpu.wait_indirect_dma semaphore(%arg14 : memref<!tpu.dma_semaphore, #tpu.memory_space<semaphore_mem>>) src(%dma_wait3A_438 : memref<10000x144xf32, #tpu.memory_space<hbm>>) dst(%arg11 : memref<80x144xf32, #tpu.memory_space<vmem>>)
      %mul3A_439 = arith.constant 80 : i32
      %mul3A_440 = arith.muli %add3A_267, %mul3A_439 : i32
      %add3A_441 = arith.constant 0 : i32
      %add3A_442 = arith.addi %mul3A_440, %add3A_441 : i32
      %get3A_443 = arith.index_cast %add3A_442 : i32 to index
      %get3A_444 = tpu.vector_load %arg8[%get3A_443] {strides = array<i32>} : memref<10000xi32, #tpu.memory_space<vmem>>, vector<16xi32>,
      %get3A_445 = vector.shape_cast %get3A_444 : vector<16xi32> to vector<16xi32>
      %sub3A_446 = vector.broadcast %mul3A_0 : i32 to vector<16xi32>
      %sub3A_447 = arith.subi %get3A_445, %sub3A_446 : vector<16xi32>
      %ge3A_448 = arith.constant 0 : i32
      %ge3A_449 = vector.broadcast %ge3A_448 : i32 to vector<16xi32>
      %ge3A_450 = arith.cmpi sge, %sub3A_447, %ge3A_449 : vector<16xi32>
      %lt3A_451 = arith.constant 5000 : i32
      %lt3A_452 = vector.broadcast %lt3A_451 : i32 to vector<16xi32>
      %lt3A_453 = arith.cmpi slt, %sub3A_447, %lt3A_452 : vector<16xi32>
      %and3A_454 = arith.andi %ge3A_450, %lt3A_453 : vector<16xi1>
      %add3A_455 = arith.constant 0 : i32
      %add3A_456 = arith.addi %add3A_267, %add3A_455 : i32
      %and3A_457 = arith.constant 63 : i32
      %and3A_458 = arith.andi %add3A_456, %and3A_457 : i32
      %add3A_459 = arith.constant 5000 : i32
      %add3A_460 = arith.addi %add3A_459, %and3A_458 : i32
      %add3A_461 = vector.broadcast %add3A_460 : i32 to vector<16xi32>
      %add3A_462 = arith.addi %add3A_461, %iota3A : vector<16xi32>
      %select_n3A_463 = arith.select %and3A_454, %sub3A_447, %add3A_462 : vector<16xi1>, vector<16xi32>
      %swap3A_464 = arith.constant 0 : index
      %swap3A_465 = tpu.vector_load %arg9[%swap3A_464] {strides = array<i32>} : memref<80xi32, #tpu.memory_space<vmem>>, vector<16xi32>,
      %swap3A_466 = vector.shape_cast %swap3A_465 : vector<16xi32> to vector<16xi32>
      %swap3A_467 = vector.shape_cast %select_n3A_463 : vector<16xi32> to vector<16xi32>
      tpu.vector_store %arg9[%swap3A_464], %swap3A_467 {strides = array<i32>} : memref<80xi32, #tpu.memory_space<vmem>>, vector<16xi32>,
      %mul3A_468 = arith.constant 80 : i32
      %mul3A_469 = arith.muli %add3A_267, %mul3A_468 : i32
      %add3A_470 = arith.constant 16 : i32
      %add3A_471 = arith.addi %mul3A_469, %add3A_470 : i32
      %get3A_472 = arith.index_cast %add3A_471 : i32 to index
      %get3A_473 = tpu.vector_load %arg8[%get3A_472] {strides = array<i32>} : memref<10000xi32, #tpu.memory_space<vmem>>, vector<16xi32>,
      %get3A_474 = vector.shape_cast %get3A_473 : vector<16xi32> to vector<16xi32>
      %sub3A_475 = vector.broadcast %mul3A_0 : i32 to vector<16xi32>
      %sub3A_476 = arith.subi %get3A_474, %sub3A_475 : vector<16xi32>
      %ge3A_477 = arith.constant 0 : i32
      %ge3A_478 = vector.broadcast %ge3A_477 : i32 to vector<16xi32>
      %ge3A_479 = arith.cmpi sge, %sub3A_476, %ge3A_478 : vector<16xi32>
      %lt3A_480 = arith.constant 5000 : i32
      %lt3A_481 = vector.broadcast %lt3A_480 : i32 to vector<16xi32>
      %lt3A_482 = arith.cmpi slt, %sub3A_476, %lt3A_481 : vector<16xi32>
      %and3A_483 = arith.andi %ge3A_479, %lt3A_482 : vector<16xi1>
      %add3A_484 = arith.constant 1 : i32
      %add3A_485 = arith.addi %add3A_267, %add3A_484 : i32
      %and3A_486 = arith.constant 63 : i32
      %and3A_487 = arith.andi %add3A_485, %and3A_486 : i32
      %add3A_488 = arith.constant 5000 : i32
      %add3A_489 = arith.addi %add3A_488, %and3A_487 : i32
      %add3A_490 = vector.broadcast %add3A_489 : i32 to vector<16xi32>
      %add3A_491 = arith.addi %add3A_490, %iota3A : vector<16xi32>
      %select_n3A_492 = arith.select %and3A_483, %sub3A_476, %add3A_491 : vector<16xi1>, vector<16xi32>
      %swap3A_493 = arith.constant 16 : index
      %swap3A_494 = tpu.vector_load %arg9[%swap3A_493] {strides = array<i32>} : memref<80xi32, #tpu.memory_space<vmem>>, vector<16xi32>,
      %swap3A_495 = vector.shape_cast %swap3A_494 : vector<16xi32> to vector<16xi32>
      %swap3A_496 = vector.shape_cast %select_n3A_492 : vector<16xi32> to vector<16xi32>
      tpu.vector_store %arg9[%swap3A_493], %swap3A_496 {strides = array<i32>} : memref<80xi32, #tpu.memory_space<vmem>>, vector<16xi32>,
      %mul3A_497 = arith.constant 80 : i32
      %mul3A_498 = arith.muli %add3A_267, %mul3A_497 : i32
      %add3A_499 = arith.constant 32 : i32
      %add3A_500 = arith.addi %mul3A_498, %add3A_499 : i32
      %get3A_501 = arith.index_cast %add3A_500 : i32 to index
      %get3A_502 = tpu.vector_load %arg8[%get3A_501] {strides = array<i32>} : memref<10000xi32, #tpu.memory_space<vmem>>, vector<16xi32>,
      %get3A_503 = vector.shape_cast %get3A_502 : vector<16xi32> to vector<16xi32>
      %sub3A_504 = vector.broadcast %mul3A_0 : i32 to vector<16xi32>
      %sub3A_505 = arith.subi %get3A_503, %sub3A_504 : vector<16xi32>
      %ge3A_506 = arith.constant 0 : i32
      %ge3A_507 = vector.broadcast %ge3A_506 : i32 to vector<16xi32>
      %ge3A_508 = arith.cmpi sge, %sub3A_505, %ge3A_507 : vector<16xi32>
      %lt3A_509 = arith.constant 5000 : i32
      %lt3A_510 = vector.broadcast %lt3A_509 : i32 to vector<16xi32>
      %lt3A_511 = arith.cmpi slt, %sub3A_505, %lt3A_510 : vector<16xi32>
      %and3A_512 = arith.andi %ge3A_508, %lt3A_511 : vector<16xi1>
      %add3A_513 = arith.constant 2 : i32
      %add3A_514 = arith.addi %add3A_267, %add3A_513 : i32
      %and3A_515 = arith.constant 63 : i32
      %and3A_516 = arith.andi %add3A_514, %and3A_515 : i32
      %add3A_517 = arith.constant 5000 : i32
      %add3A_518 = arith.addi %add3A_517, %and3A_516 : i32
      %add3A_519 = vector.broadcast %add3A_518 : i32 to vector<16xi32>
      %add3A_520 = arith.addi %add3A_519, %iota3A : vector<16xi32>
      %select_n3A_521 = arith.select %and3A_512, %sub3A_505, %add3A_520 : vector<16xi1>, vector<16xi32>
      %swap3A_522 = arith.constant 32 : index
      %swap3A_523 = tpu.vector_load %arg9[%swap3A_522] {strides = array<i32>} : memref<80xi32, #tpu.memory_space<vmem>>, vector<16xi32>,
      %swap3A_524 = vector.shape_cast %swap3A_523 : vector<16xi32> to vector<16xi32>
      %swap3A_525 = vector.shape_cast %select_n3A_521 : vector<16xi32> to vector<16xi32>
      tpu.vector_store %arg9[%swap3A_522], %swap3A_525 {strides = array<i32>} : memref<80xi32, #tpu.memory_space<vmem>>, vector<16xi32>,
      %mul3A_526 = arith.constant 80 : i32
      %mul3A_527 = arith.muli %add3A_267, %mul3A_526 : i32
      %add3A_528 = arith.constant 48 : i32
      %add3A_529 = arith.addi %mul3A_527, %add3A_528 : i32
      %get3A_530 = arith.index_cast %add3A_529 : i32 to index
      %get3A_531 = tpu.vector_load %arg8[%get3A_530] {strides = array<i32>} : memref<10000xi32, #tpu.memory_space<vmem>>, vector<16xi32>,
      %get3A_532 = vector.shape_cast %get3A_531 : vector<16xi32> to vector<16xi32>
      %sub3A_533 = vector.broadcast %mul3A_0 : i32 to vector<16xi32>
      %sub3A_534 = arith.subi %get3A_532, %sub3A_533 : vector<16xi32>
      %ge3A_535 = arith.constant 0 : i32
      %ge3A_536 = vector.broadcast %ge3A_535 : i32 to vector<16xi32>
      %ge3A_537 = arith.cmpi sge, %sub3A_534, %ge3A_536 : vector<16xi32>
      %lt3A_538 = arith.constant 5000 : i32
      %lt3A_539 = vector.broadcast %lt3A_538 : i32 to vector<16xi32>
      %lt3A_540 = arith.cmpi slt, %sub3A_534, %lt3A_539 : vector<16xi32>
      %and3A_541 = arith.andi %ge3A_537, %lt3A_540 : vector<16xi1>
      %add3A_542 = arith.constant 3 : i32
      %add3A_543 = arith.addi %add3A_267, %add3A_542 : i32
      %and3A_544 = arith.constant 63 : i32
      %and3A_545 = arith.andi %add3A_543, %and3A_544 : i32
      %add3A_546 = arith.constant 5000 : i32
      %add3A_547 = arith.addi %add3A_546, %and3A_545 : i32
      %add3A_548 = vector.broadcast %add3A_547 : i32 to vector<16xi32>
      %add3A_549 = arith.addi %add3A_548, %iota3A : vector<16xi32>
      %select_n3A_550 = arith.select %and3A_541, %sub3A_534, %add3A_549 : vector<16xi1>, vector<16xi32>
      %swap3A_551 = arith.constant 48 : index
      %swap3A_552 = tpu.vector_load %arg9[%swap3A_551] {strides = array<i32>} : memref<80xi32, #tpu.memory_space<vmem>>, vector<16xi32>,
      %swap3A_553 = vector.shape_cast %swap3A_552 : vector<16xi32> to vector<16xi32>
      %swap3A_554 = vector.shape_cast %select_n3A_550 : vector<16xi32> to vector<16xi32>
      tpu.vector_store %arg9[%swap3A_551], %swap3A_554 {strides = array<i32>} : memref<80xi32, #tpu.memory_space<vmem>>, vector<16xi32>,
      %mul3A_555 = arith.constant 80 : i32
      %mul3A_556 = arith.muli %add3A_267, %mul3A_555 : i32
      %add3A_557 = arith.constant 64 : i32
      %add3A_558 = arith.addi %mul3A_556, %add3A_557 : i32
      %get3A_559 = arith.index_cast %add3A_558 : i32 to index
      %get3A_560 = tpu.vector_load %arg8[%get3A_559] {strides = array<i32>} : memref<10000xi32, #tpu.memory_space<vmem>>, vector<16xi32>,
      %get3A_561 = vector.shape_cast %get3A_560 : vector<16xi32> to vector<16xi32>
      %sub3A_562 = vector.broadcast %mul3A_0 : i32 to vector<16xi32>
      %sub3A_563 = arith.subi %get3A_561, %sub3A_562 : vector<16xi32>
      %ge3A_564 = arith.constant 0 : i32
      %ge3A_565 = vector.broadcast %ge3A_564 : i32 to vector<16xi32>
      %ge3A_566 = arith.cmpi sge, %sub3A_563, %ge3A_565 : vector<16xi32>
      %lt3A_567 = arith.constant 5000 : i32
      %lt3A_568 = vector.broadcast %lt3A_567 : i32 to vector<16xi32>
      %lt3A_569 = arith.cmpi slt, %sub3A_563, %lt3A_568 : vector<16xi32>
      %and3A_570 = arith.andi %ge3A_566, %lt3A_569 : vector<16xi1>
      %add3A_571 = arith.constant 4 : i32
      %add3A_572 = arith.addi %add3A_267, %add3A_571 : i32
      %and3A_573 = arith.constant 63 : i32
      %and3A_574 = arith.andi %add3A_572, %and3A_573 : i32
      %add3A_575 = arith.constant 5000 : i32
      %add3A_576 = arith.addi %add3A_575, %and3A_574 : i32
      %add3A_577 = vector.broadcast %add3A_576 : i32 to vector<16xi32>
      %add3A_578 = arith.addi %add3A_577, %iota3A : vector<16xi32>
      %select_n3A_579 = arith.select %and3A_570, %sub3A_563, %add3A_578 : vector<16xi1>, vector<16xi32>
      %swap3A_580 = arith.constant 64 : index
      %swap3A_581 = tpu.vector_load %arg9[%swap3A_580] {strides = array<i32>} : memref<80xi32, #tpu.memory_space<vmem>>, vector<16xi32>,
      %swap3A_582 = vector.shape_cast %swap3A_581 : vector<16xi32> to vector<16xi32>
      %swap3A_583 = vector.shape_cast %select_n3A_579 : vector<16xi32> to vector<16xi32>
      tpu.vector_store %arg9[%swap3A_580], %swap3A_583 {strides = array<i32>} : memref<80xi32, #tpu.memory_space<vmem>>, vector<16xi32>,
      "tpu.region"() ({
        %run_scoped3A = tpu.sem_alloc : memref<!tpu.dma_semaphore, #tpu.memory_space<semaphore_mem>>
        %dma_start3A_584 = arith.constant 0 : i32
        %dma_start3A_585 = arith.constant 0 : i32
        %dma_start3A_586 = tpu.memref_slice %arg12[%dma_start3A_584, %dma_start3A_585] : memref<5120x144xf32, #tpu.memory_space<vmem_shared>> -> memref<5120x144xf32, #tpu.memory_space<vmem_shared>>
        tpu.enqueue_indirect_dma source(%arg11 : memref<80x144xf32, #tpu.memory_space<vmem>>) target(%dma_start3A_586 : memref<5120x144xf32, #tpu.memory_space<vmem_shared>>) offsets(%arg9 : memref<80xi32, #tpu.memory_space<vmem>>) semaphore(%run_scoped3A : memref<!tpu.dma_semaphore, #tpu.memory_space<semaphore_mem>>) {add = true}
        %dma_wait3A_587 = arith.constant 0 : i32
        %dma_wait3A_588 = arith.constant 0 : i32
        %dma_wait3A_589 = tpu.memref_slice %arg12[%dma_wait3A_587, %dma_wait3A_588] : memref<5120x144xf32, #tpu.memory_space<vmem_shared>> -> memref<5120x144xf32, #tpu.memory_space<vmem_shared>>
        tpu.wait_indirect_dma semaphore(%run_scoped3A : memref<!tpu.dma_semaphore, #tpu.memory_space<semaphore_mem>>) src(%arg11 : memref<80x144xf32, #tpu.memory_space<vmem>>) dst(%dma_wait3A_589 : memref<5120x144xf32, #tpu.memory_space<vmem_shared>>)
        tpu.yield
      }) : () -> ()
    }
    %scan3A_140 = arith.constant 62 : i32
    %dma_wait3A_141 = arith.constant 9920 : i32
    %dma_wait3A_142 = tpu.memref_slice %arg7[%dma_wait3A_141] : memref<10000xi32, #tpu.memory_space<vmem>> -> memref<80xi32, #tpu.memory_space<vmem>>
    %dma_wait3A_143 = arith.constant 0 : i32
    %dma_wait3A_144 = arith.constant 0 : i32
    %dma_wait3A_145 = tpu.memref_slice %arg2[%dma_wait3A_143, %dma_wait3A_144] : memref<10000x144xf32, #tpu.memory_space<hbm>> -> memref<10000x144xf32, #tpu.memory_space<hbm>>
    tpu.wait_indirect_dma semaphore(%arg13 : memref<!tpu.dma_semaphore, #tpu.memory_space<semaphore_mem>>) src(%dma_wait3A_145 : memref<10000x144xf32, #tpu.memory_space<hbm>>) dst(%arg10 : memref<80x144xf32, #tpu.memory_space<vmem>>)
    %get3A_146 = arith.constant 9920 : index
    %get3A_147 = tpu.vector_load %arg8[%get3A_146] {strides = array<i32>} : memref<10000xi32, #tpu.memory_space<vmem>>, vector<16xi32>,
    %get3A_148 = vector.shape_cast %get3A_147 : vector<16xi32> to vector<16xi32>
    %sub3A_149 = vector.broadcast %mul3A_0 : i32 to vector<16xi32>
    %sub3A_150 = arith.subi %get3A_148, %sub3A_149 : vector<16xi32>
    %ge3A_151 = arith.constant 0 : i32
    %ge3A_152 = vector.broadcast %ge3A_151 : i32 to vector<16xi32>
    %ge3A_153 = arith.cmpi sge, %sub3A_150, %ge3A_152 : vector<16xi32>
    %lt3A_154 = arith.constant 5000 : i32
    %lt3A_155 = vector.broadcast %lt3A_154 : i32 to vector<16xi32>
    %lt3A_156 = arith.cmpi slt, %sub3A_150, %lt3A_155 : vector<16xi32>
    %and3A_157 = arith.andi %ge3A_153, %lt3A_156 : vector<16xi1>
    %add3A_158 = arith.constant 5060 : i32
    %add3A_159 = vector.broadcast %add3A_158 : i32 to vector<16xi32>
    %add3A_160 = arith.addi %add3A_159, %iota3A : vector<16xi32>
    %select_n3A_161 = arith.select %and3A_157, %sub3A_150, %add3A_160 : vector<16xi1>, vector<16xi32>
    %swap3A_162 = arith.constant 0 : index
    %swap3A_163 = tpu.vector_load %arg9[%swap3A_162] {strides = array<i32>} : memref<80xi32, #tpu.memory_space<vmem>>, vector<16xi32>,
    %swap3A_164 = vector.shape_cast %swap3A_163 : vector<16xi32> to vector<16xi32>
    %swap3A_165 = vector.shape_cast %select_n3A_161 : vector<16xi32> to vector<16xi32>
    tpu.vector_store %arg9[%swap3A_162], %swap3A_165 {strides = array<i32>} : memref<80xi32, #tpu.memory_space<vmem>>, vector<16xi32>,
    %get3A_166 = arith.constant 9936 : index
    %get3A_167 = tpu.vector_load %arg8[%get3A_166] {strides = array<i32>} : memref<10000xi32, #tpu.memory_space<vmem>>, vector<16xi32>,
    %get3A_168 = vector.shape_cast %get3A_167 : vector<16xi32> to vector<16xi32>
    %sub3A_169 = vector.broadcast %mul3A_0 : i32 to vector<16xi32>
    %sub3A_170 = arith.subi %get3A_168, %sub3A_169 : vector<16xi32>
    %ge3A_171 = arith.constant 0 : i32
    %ge3A_172 = vector.broadcast %ge3A_171 : i32 to vector<16xi32>
    %ge3A_173 = arith.cmpi sge, %sub3A_170, %ge3A_172 : vector<16xi32>
    %lt3A_174 = arith.constant 5000 : i32
    %lt3A_175 = vector.broadcast %lt3A_174 : i32 to vector<16xi32>
    %lt3A_176 = arith.cmpi slt, %sub3A_170, %lt3A_175 : vector<16xi32>
    %and3A_177 = arith.andi %ge3A_173, %lt3A_176 : vector<16xi1>
    %add3A_178 = arith.constant 5061 : i32
    %add3A_179 = vector.broadcast %add3A_178 : i32 to vector<16xi32>
    %add3A_180 = arith.addi %add3A_179, %iota3A : vector<16xi32>
    %select_n3A_181 = arith.select %and3A_177, %sub3A_170, %add3A_180 : vector<16xi1>, vector<16xi32>
    %swap3A_182 = arith.constant 16 : index
    %swap3A_183 = tpu.vector_load %arg9[%swap3A_182] {strides = array<i32>} : memref<80xi32, #tpu.memory_space<vmem>>, vector<16xi32>,
    %swap3A_184 = vector.shape_cast %swap3A_183 : vector<16xi32> to vector<16xi32>
    %swap3A_185 = vector.shape_cast %select_n3A_181 : vector<16xi32> to vector<16xi32>
    tpu.vector_store %arg9[%swap3A_182], %swap3A_185 {strides = array<i32>} : memref<80xi32, #tpu.memory_space<vmem>>, vector<16xi32>,
    %get3A_186 = arith.constant 9952 : index
    %get3A_187 = tpu.vector_load %arg8[%get3A_186] {strides = array<i32>} : memref<10000xi32, #tpu.memory_space<vmem>>, vector<16xi32>,
    %get3A_188 = vector.shape_cast %get3A_187 : vector<16xi32> to vector<16xi32>
    %sub3A_189 = vector.broadcast %mul3A_0 : i32 to vector<16xi32>
    %sub3A_190 = arith.subi %get3A_188, %sub3A_189 : vector<16xi32>
    %ge3A_191 = arith.constant 0 : i32
    %ge3A_192 = vector.broadcast %ge3A_191 : i32 to vector<16xi32>
    %ge3A_193 = arith.cmpi sge, %sub3A_190, %ge3A_192 : vector<16xi32>
    %lt3A_194 = arith.constant 5000 : i32
    %lt3A_195 = vector.broadcast %lt3A_194 : i32 to vector<16xi32>
    %lt3A_196 = arith.cmpi slt, %sub3A_190, %lt3A_195 : vector<16xi32>
    %and3A_197 = arith.andi %ge3A_193, %lt3A_196 : vector<16xi1>
    %add3A_198 = arith.constant 5062 : i32
    %add3A_199 = vector.broadcast %add3A_198 : i32 to vector<16xi32>
    %add3A_200 = arith.addi %add3A_199, %iota3A : vector<16xi32>
    %select_n3A_201 = arith.select %and3A_197, %sub3A_190, %add3A_200 : vector<16xi1>, vector<16xi32>
    %swap3A_202 = arith.constant 32 : index
    %swap3A_203 = tpu.vector_load %arg9[%swap3A_202] {strides = array<i32>} : memref<80xi32, #tpu.memory_space<vmem>>, vector<16xi32>,
    %swap3A_204 = vector.shape_cast %swap3A_203 : vector<16xi32> to vector<16xi32>
    %swap3A_205 = vector.shape_cast %select_n3A_201 : vector<16xi32> to vector<16xi32>
    tpu.vector_store %arg9[%swap3A_202], %swap3A_205 {strides = array<i32>} : memref<80xi32, #tpu.memory_space<vmem>>, vector<16xi32>,
    %get3A_206 = arith.constant 9968 : index
    %get3A_207 = tpu.vector_load %arg8[%get3A_206] {strides = array<i32>} : memref<10000xi32, #tpu.memory_space<vmem>>, vector<16xi32>,
    %get3A_208 = vector.shape_cast %get3A_207 : vector<16xi32> to vector<16xi32>
    %sub3A_209 = vector.broadcast %mul3A_0 : i32 to vector<16xi32>
    %sub3A_210 = arith.subi %get3A_208, %sub3A_209 : vector<16xi32>
    %ge3A_211 = arith.constant 0 : i32
    %ge3A_212 = vector.broadcast %ge3A_211 : i32 to vector<16xi32>
    %ge3A_213 = arith.cmpi sge, %sub3A_210, %ge3A_212 : vector<16xi32>
    %lt3A_214 = arith.constant 5000 : i32
    %lt3A_215 = vector.broadcast %lt3A_214 : i32 to vector<16xi32>
    %lt3A_216 = arith.cmpi slt, %sub3A_210, %lt3A_215 : vector<16xi32>
    %and3A_217 = arith.andi %ge3A_213, %lt3A_216 : vector<16xi1>
    %add3A_218 = arith.constant 5063 : i32
    %add3A_219 = vector.broadcast %add3A_218 : i32 to vector<16xi32>
    %add3A_220 = arith.addi %add3A_219, %iota3A : vector<16xi32>
    %select_n3A_221 = arith.select %and3A_217, %sub3A_210, %add3A_220 : vector<16xi1>, vector<16xi32>
    %swap3A_222 = arith.constant 48 : index
    %swap3A_223 = tpu.vector_load %arg9[%swap3A_222] {strides = array<i32>} : memref<80xi32, #tpu.memory_space<vmem>>, vector<16xi32>,
    %swap3A_224 = vector.shape_cast %swap3A_223 : vector<16xi32> to vector<16xi32>
    %swap3A_225 = vector.shape_cast %select_n3A_221 : vector<16xi32> to vector<16xi32>
    tpu.vector_store %arg9[%swap3A_222], %swap3A_225 {strides = array<i32>} : memref<80xi32, #tpu.memory_space<vmem>>, vector<16xi32>,
    %get3A_226 = arith.constant 9984 : index
    %get3A_227 = tpu.vector_load %arg8[%get3A_226] {strides = array<i32>} : memref<10000xi32, #tpu.memory_space<vmem>>, vector<16xi32>,
    %get3A_228 = vector.shape_cast %get3A_227 : vector<16xi32> to vector<16xi32>
    %sub3A_229 = vector.broadcast %mul3A_0 : i32 to vector<16xi32>
    %sub3A_230 = arith.subi %get3A_228, %sub3A_229 : vector<16xi32>
    %ge3A_231 = arith.constant 0 : i32
    %ge3A_232 = vector.broadcast %ge3A_231 : i32 to vector<16xi32>
    %ge3A_233 = arith.cmpi sge, %sub3A_230, %ge3A_232 : vector<16xi32>
    %lt3A_234 = arith.constant 5000 : i32
    %lt3A_235 = vector.broadcast %lt3A_234 : i32 to vector<16xi32>
    %lt3A_236 = arith.cmpi slt, %sub3A_230, %lt3A_235 : vector<16xi32>
    %and3A_237 = arith.andi %ge3A_233, %lt3A_236 : vector<16xi1>
    %add3A_238 = arith.constant 5000 : i32
    %add3A_239 = vector.broadcast %add3A_238 : i32 to vector<16xi32>
    %add3A_240 = arith.addi %add3A_239, %iota3A : vector<16xi32>
    %select_n3A_241 = arith.select %and3A_237, %sub3A_230, %add3A_240 : vector<16xi1>, vector<16xi32>
    %swap3A_242 = arith.constant 64 : index
    %swap3A_243 = tpu.vector_load %arg9[%swap3A_242] {strides = array<i32>} : memref<80xi32, #tpu.memory_space<vmem>>, vector<16xi32>,
    %swap3A_244 = vector.shape_cast %swap3A_243 : vector<16xi32> to vector<16xi32>
    %swap3A_245 = vector.shape_cast %select_n3A_241 : vector<16xi32> to vector<16xi32>
    tpu.vector_store %arg9[%swap3A_242], %swap3A_245 {strides = array<i32>} : memref<80xi32, #tpu.memory_space<vmem>>, vector<16xi32>,
    "tpu.region"() ({
      %run_scoped3A = tpu.sem_alloc : memref<!tpu.dma_semaphore, #tpu.memory_space<semaphore_mem>>
      %dma_start3A_263 = arith.constant 0 : i32
      %dma_start3A_264 = arith.constant 0 : i32
      %dma_start3A_265 = tpu.memref_slice %arg12[%dma_start3A_263, %dma_start3A_264] : memref<5120x144xf32, #tpu.memory_space<vmem_shared>> -> memref<5120x144xf32, #tpu.memory_space<vmem_shared>>
      tpu.enqueue_indirect_dma source(%arg10 : memref<80x144xf32, #tpu.memory_space<vmem>>) target(%dma_start3A_265 : memref<5120x144xf32, #tpu.memory_space<vmem_shared>>) offsets(%arg9 : memref<80xi32, #tpu.memory_space<vmem>>) semaphore(%run_scoped3A : memref<!tpu.dma_semaphore, #tpu.memory_space<semaphore_mem>>) {add = true}
      %dma_wait3A_266 = arith.constant 0 : i32
      %dma_wait3A_267 = arith.constant 0 : i32
      %dma_wait3A_268 = tpu.memref_slice %arg12[%dma_wait3A_266, %dma_wait3A_267] : memref<5120x144xf32, #tpu.memory_space<vmem_shared>> -> memref<5120x144xf32, #tpu.memory_space<vmem_shared>>
      tpu.wait_indirect_dma semaphore(%run_scoped3A : memref<!tpu.dma_semaphore, #tpu.memory_space<semaphore_mem>>) src(%arg10 : memref<80x144xf32, #tpu.memory_space<vmem>>) dst(%dma_wait3A_268 : memref<5120x144xf32, #tpu.memory_space<vmem_shared>>)
      tpu.yield
    }) : () -> ()
    %barrier3A_246 = arith.constant 0 : index
    tpu.barrier barrier_id(%barrier3A_246)
    %mul3A_247 = arith.constant 320 : i32
    %mul3A_248 = arith.muli %arg1, %mul3A_247 : i32
    %add3A_249 = arith.constant 0 : i32
    %add3A_250 = arith.addi %mul3A_248, %add3A_249 : i32
    "tpu.region"() ({
      %run_scoped3A = tpu.sem_alloc : memref<!tpu.dma_semaphore, #tpu.memory_space<semaphore_mem>>
      %dma_start3A_263 = arith.constant 0 : i32
      %dma_start3A_264 = tpu.memref_slice %arg6[%arg0, %add3A_250, %dma_start3A_263] : memref<2x5120x144xf32, #tpu.memory_space<hbm>> -> memref<1x80x144xf32, #tpu.memory_space<hbm>>
      %dma_start3A_265 = tpu.memref_squeeze %dma_start3A_264 : memref<1x80x144xf32, #tpu.memory_space<hbm>> -> memref<80x144xf32, #tpu.memory_space<hbm>>
      %dma_start3A_266 = arith.constant 0 : i32
      %dma_start3A_267 = tpu.memref_slice %arg12[%add3A_250, %dma_start3A_266] : memref<5120x144xf32, #tpu.memory_space<vmem_shared>> -> memref<80x144xf32, #tpu.memory_space<vmem_shared>>
      tpu.enqueue_dma source(%dma_start3A_267 : memref<80x144xf32, #tpu.memory_space<vmem_shared>>) target(%dma_start3A_265 : memref<80x144xf32, #tpu.memory_space<hbm>>) target_semaphore(%run_scoped3A : memref<!tpu.dma_semaphore, #tpu.memory_space<semaphore_mem>>)
      %dma_wait3A_268 = arith.constant 0 : i32
      %dma_wait3A_269 = tpu.memref_slice %arg6[%arg0, %add3A_250, %dma_wait3A_268] : memref<2x5120x144xf32, #tpu.memory_space<hbm>> -> memref<1x80x144xf32, #tpu.memory_space<hbm>>
      %dma_wait3A_270 = tpu.memref_squeeze %dma_wait3A_269 : memref<1x80x144xf32, #tpu.memory_space<hbm>> -> memref<80x144xf32, #tpu.memory_space<hbm>>
      %dma_wait3A_271 = arith.constant 0 : i32
      %dma_wait3A_272 = tpu.memref_slice %arg12[%add3A_250, %dma_wait3A_271] : memref<5120x144xf32, #tpu.memory_space<vmem_shared>> -> memref<80x144xf32, #tpu.memory_space<vmem_shared>>
      tpu.wait_dma2 semaphore(%run_scoped3A : memref<!tpu.dma_semaphore, #tpu.memory_space<semaphore_mem>>) src(%dma_wait3A_272 : memref<80x144xf32, #tpu.memory_space<vmem_shared>>) dst(%dma_wait3A_270 : memref<80x144xf32, #tpu.memory_space<hbm>>)
      tpu.yield
    }) : () -> ()
    %mul3A_251 = arith.constant 320 : i32
    %mul3A_252 = arith.muli %arg1, %mul3A_251 : i32
    %add3A_253 = arith.constant 80 : i32
    %add3A_254 = arith.addi %mul3A_252, %add3A_253 : i32
    "tpu.region"() ({
      %run_scoped3A = tpu.sem_alloc : memref<!tpu.dma_semaphore, #tpu.memory_space<semaphore_mem>>
      %dma_start3A_263 = arith.constant 0 : i32
      %dma_start3A_264 = tpu.memref_slice %arg6[%arg0, %add3A_254, %dma_start3A_263] : memref<2x5120x144xf32, #tpu.memory_space<hbm>> -> memref<1x80x144xf32, #tpu.memory_space<hbm>>
      %dma_start3A_265 = tpu.memref_squeeze %dma_start3A_264 : memref<1x80x144xf32, #tpu.memory_space<hbm>> -> memref<80x144xf32, #tpu.memory_space<hbm>>
      %dma_start3A_266 = arith.constant 0 : i32
      %dma_start3A_267 = tpu.memref_slice %arg12[%add3A_254, %dma_start3A_266] : memref<5120x144xf32, #tpu.memory_space<vmem_shared>> -> memref<80x144xf32, #tpu.memory_space<vmem_shared>>
      tpu.enqueue_dma source(%dma_start3A_267 : memref<80x144xf32, #tpu.memory_space<vmem_shared>>) target(%dma_start3A_265 : memref<80x144xf32, #tpu.memory_space<hbm>>) target_semaphore(%run_scoped3A : memref<!tpu.dma_semaphore, #tpu.memory_space<semaphore_mem>>)
      %dma_wait3A_268 = arith.constant 0 : i32
      %dma_wait3A_269 = tpu.memref_slice %arg6[%arg0, %add3A_254, %dma_wait3A_268] : memref<2x5120x144xf32, #tpu.memory_space<hbm>> -> memref<1x80x144xf32, #tpu.memory_space<hbm>>
      %dma_wait3A_270 = tpu.memref_squeeze %dma_wait3A_269 : memref<1x80x144xf32, #tpu.memory_space<hbm>> -> memref<80x144xf32, #tpu.memory_space<hbm>>
      %dma_wait3A_271 = arith.constant 0 : i32
      %dma_wait3A_272 = tpu.memref_slice %arg12[%add3A_254, %dma_wait3A_271] : memref<5120x144xf32, #tpu.memory_space<vmem_shared>> -> memref<80x144xf32, #tpu.memory_space<vmem_shared>>
      tpu.wait_dma2 semaphore(%run_scoped3A : memref<!tpu.dma_semaphore, #tpu.memory_space<semaphore_mem>>) src(%dma_wait3A_272 : memref<80x144xf32, #tpu.memory_space<vmem_shared>>) dst(%dma_wait3A_270 : memref<80x144xf32, #tpu.memory_space<hbm>>)
      tpu.yield
    }) : () -> ()
    %mul3A_255 = arith.constant 320 : i32
    %mul3A_256 = arith.muli %arg1, %mul3A_255 : i32
    %add3A_257 = arith.constant 160 : i32
    %add3A_258 = arith.addi %mul3A_256, %add3A_257 : i32
    "tpu.region"() ({
      %run_scoped3A = tpu.sem_alloc : memref<!tpu.dma_semaphore, #tpu.memory_space<semaphore_mem>>
      %dma_start3A_263 = arith.constant 0 : i32
      %dma_start3A_264 = tpu.memref_slice %arg6[%arg0, %add3A_258, %dma_start3A_263] : memref<2x5120x144xf32, #tpu.memory_space<hbm>> -> memref<1x80x144xf32, #tpu.memory_space<hbm>>
      %dma_start3A_265 = tpu.memref_squeeze %dma_start3A_264 : memref<1x80x144xf32, #tpu.memory_space<hbm>> -> memref<80x144xf32, #tpu.memory_space<hbm>>
      %dma_start3A_266 = arith.constant 0 : i32
      %dma_start3A_267 = tpu.memref_slice %arg12[%add3A_258, %dma_start3A_266] : memref<5120x144xf32, #tpu.memory_space<vmem_shared>> -> memref<80x144xf32, #tpu.memory_space<vmem_shared>>
      tpu.enqueue_dma source(%dma_start3A_267 : memref<80x144xf32, #tpu.memory_space<vmem_shared>>) target(%dma_start3A_265 : memref<80x144xf32, #tpu.memory_space<hbm>>) target_semaphore(%run_scoped3A : memref<!tpu.dma_semaphore, #tpu.memory_space<semaphore_mem>>)
      %dma_wait3A_268 = arith.constant 0 : i32
      %dma_wait3A_269 = tpu.memref_slice %arg6[%arg0, %add3A_258, %dma_wait3A_268] : memref<2x5120x144xf32, #tpu.memory_space<hbm>> -> memref<1x80x144xf32, #tpu.memory_space<hbm>>
      %dma_wait3A_270 = tpu.memref_squeeze %dma_wait3A_269 : memref<1x80x144xf32, #tpu.memory_space<hbm>> -> memref<80x144xf32, #tpu.memory_space<hbm>>
      %dma_wait3A_271 = arith.constant 0 : i32
      %dma_wait3A_272 = tpu.memref_slice %arg12[%add3A_258, %dma_wait3A_271] : memref<5120x144xf32, #tpu.memory_space<vmem_shared>> -> memref<80x144xf32, #tpu.memory_space<vmem_shared>>
      tpu.wait_dma2 semaphore(%run_scoped3A : memref<!tpu.dma_semaphore, #tpu.memory_space<semaphore_mem>>) src(%dma_wait3A_272 : memref<80x144xf32, #tpu.memory_space<vmem_shared>>) dst(%dma_wait3A_270 : memref<80x144xf32, #tpu.memory_space<hbm>>)
      tpu.yield
    }) : () -> ()
    %mul3A_259 = arith.constant 320 : i32
    %mul3A_260 = arith.muli %arg1, %mul3A_259 : i32
    %add3A_261 = arith.constant 240 : i32
    %add3A_262 = arith.addi %mul3A_260, %add3A_261 : i32
    "tpu.region"() ({
      %run_scoped3A = tpu.sem_alloc : memref<!tpu.dma_semaphore, #tpu.memory_space<semaphore_mem>>
      %dma_start3A_263 = arith.constant 0 : i32
      %dma_start3A_264 = tpu.memref_slice %arg6[%arg0, %add3A_262, %dma_start3A_263] : memref<2x5120x144xf32, #tpu.memory_space<hbm>> -> memref<1x80x144xf32, #tpu.memory_space<hbm>>
      %dma_start3A_265 = tpu.memref_squeeze %dma_start3A_264 : memref<1x80x144xf32, #tpu.memory_space<hbm>> -> memref<80x144xf32, #tpu.memory_space<hbm>>
      %dma_start3A_266 = arith.constant 0 : i32
      %dma_start3A_267 = tpu.memref_slice %arg12[%add3A_262, %dma_start3A_266] : memref<5120x144xf32, #tpu.memory_space<vmem_shared>> -> memref<80x144xf32, #tpu.memory_space<vmem_shared>>
      tpu.enqueue_dma source(%dma_start3A_267 : memref<80x144xf32, #tpu.memory_space<vmem_shared>>) target(%dma_start3A_265 : memref<80x144xf32, #tpu.memory_space<hbm>>) target_semaphore(%run_scoped3A : memref<!tpu.dma_semaphore, #tpu.memory_space<semaphore_mem>>)
      %dma_wait3A_268 = arith.constant 0 : i32
      %dma_wait3A_269 = tpu.memref_slice %arg6[%arg0, %add3A_262, %dma_wait3A_268] : memref<2x5120x144xf32, #tpu.memory_space<hbm>> -> memref<1x80x144xf32, #tpu.memory_space<hbm>>
      %dma_wait3A_270 = tpu.memref_squeeze %dma_wait3A_269 : memref<1x80x144xf32, #tpu.memory_space<hbm>> -> memref<80x144xf32, #tpu.memory_space<hbm>>
      %dma_wait3A_271 = arith.constant 0 : i32
      %dma_wait3A_272 = tpu.memref_slice %arg12[%add3A_262, %dma_wait3A_271] : memref<5120x144xf32, #tpu.memory_space<vmem_shared>> -> memref<80x144xf32, #tpu.memory_space<vmem_shared>>
      tpu.wait_dma2 semaphore(%run_scoped3A : memref<!tpu.dma_semaphore, #tpu.memory_space<semaphore_mem>>) src(%dma_wait3A_272 : memref<80x144xf32, #tpu.memory_space<vmem_shared>>) dst(%dma_wait3A_270 : memref<80x144xf32, #tpu.memory_space<hbm>>)
      tpu.yield
    }) : () -> ()
    return
  }
}

module attributes {stable_mosaic.version = 14 : i64} {
  func.func @_tc_finish_body(%arg0: i32, %arg1: i32, %arg2: memref<1x200x144xf32, #tpu.memory_space<vmem>>, %arg3: memref<128x128xf32, #tpu.memory_space<vmem>>, %arg4: memref<1x128xf32, #tpu.memory_space<vmem>>, %arg5: memref<200x128xf32, #tpu.memory_space<vmem>>) attributes {dimension_semantics = [#tpu.dimension_semantics<arbitrary>, #tpu.dimension_semantics<arbitrary>], iteration_bounds = array<i64: 2, 25>, scalar_prefetch = 0 : i64, scratch_operands = 0 : i64, tpu.core_type = #tpu.core_type<tc>, window_params = [{transform_indices = @transform_0, window_bounds = array<i64: 1, 200, 144>}, {pipeline_mode = #tpu.pipeline_mode<synchronous>, transform_indices = @transform_1, window_bounds = array<i64: 128, 128>}, {pipeline_mode = #tpu.pipeline_mode<synchronous>, transform_indices = @transform_2, window_bounds = array<i64: 1, 128>}, {transform_indices = @transform_3, window_bounds = array<i64: 200, 128>}]} {
    %get3A = arith.constant 0 : index
    %get3A_0 = arith.constant 0 : index
    %get3A_1 = arith.constant 0 : index
    %get3A_2 = vector.load %arg2[%get3A, %get3A_0, %get3A_1] : memref<1x200x144xf32, #tpu.memory_space<vmem>>, vector<1x200x144xf32>
    %get3A_3 = vector.shape_cast %get3A_2 : vector<1x200x144xf32> to vector<200x144xf32>
    %slice3A = vector.extract_strided_slice %get3A_3 {offsets = [0, 0], sizes = [200, 128], strides = [1, 1]} : vector<200x144xf32> to vector<200x128xf32>
    %slice3A_4 = vector.extract_strided_slice %get3A_3 {offsets = [0, 128], sizes = [200, 1], strides = [1, 1]} : vector<200x144xf32> to vector<200x1xf32>
    %max3A = arith.constant 1.000000e+00 : f32
    %max3A_5 = vector.broadcast %max3A : f32 to vector<200x1xf32>
    %max3A_6 = arith.maximumf %slice3A_4, %max3A_5 : vector<200x1xf32>
    %div3A = vector.broadcast %max3A_6 : vector<200x1xf32> to vector<200x128xf32>
    %div3A_7 = arith.divf %slice3A, %div3A : vector<200x128xf32>
    %get3A_8 = arith.constant 0 : index
    %get3A_9 = arith.constant 0 : index
    %get3A_10 = vector.load %arg3[%get3A_8, %get3A_9] : memref<128x128xf32, #tpu.memory_space<vmem>>, vector<128x128xf32>
    %dot_general3A = arith.constant dense<0.000000e+00> : vector<200x128xf32>
    %dot_general3A_11 = tpu.matmul %div3A_7, %get3A_10, %dot_general3A {dimension_numbers = #tpu.dot_dimension_numbers<[1], [0], [0], [1], [0, 0, 1, 1], [], []>, transpose_lhs_hint = false} : vector<200x128xf32>, vector<128x128xf32>, vector<200x128xf32> -> vector<200x128xf32>
    %get3A_12 = arith.constant 0 : index
    %get3A_13 = arith.constant 0 : index
    %get3A_14 = vector.load %arg4[%get3A_12, %get3A_13] : memref<1x128xf32, #tpu.memory_space<vmem>>, vector<1x128xf32>
    %add3A = vector.broadcast %get3A_14 : vector<1x128xf32> to vector<200x128xf32>
    %add3A_15 = arith.addf %dot_general3A_11, %add3A : vector<200x128xf32>
    %max3A_16 = arith.constant 0.000000e+00 : f32
    %max3A_17 = vector.broadcast %max3A_16 : f32 to vector<200x128xf32>
    %max3A_18 = arith.maximumf %add3A_15, %max3A_17 : vector<200x128xf32>
    %swap3A = arith.constant 0 : index
    %swap3A_19 = arith.constant 0 : index
    %swap3A_20 = vector.load %arg5[%swap3A, %swap3A_19] : memref<200x128xf32, #tpu.memory_space<vmem>>, vector<200x128xf32>
    tpu.vector_store %arg5[%swap3A, %swap3A_19], %max3A_18 {strides = array<i32>} : memref<200x128xf32, #tpu.memory_space<vmem>>, vector<200x128xf32>,
    return
  }
  func.func @transform_0(%arg0: i32, %arg1: i32) -> (i32, i32, i32) {
    %c0_i32 = arith.constant 0 : i32
    %c0_i32_0 = arith.constant 0 : i32
    return %arg0, %arg1, %c0_i32 : i32, i32, i32
  }
  func.func @transform_1(%arg0: i32, %arg1: i32) -> (i32, i32) {
    %c0_i32 = arith.constant 0 : i32
    %c0_i32_0 = arith.constant 0 : i32
    %c0_i32_1 = arith.constant 0 : i32
    return %c0_i32, %c0_i32_0 : i32, i32
  }
  func.func @transform_2(%arg0: i32, %arg1: i32) -> (i32, i32) {
    %c0_i32 = arith.constant 0 : i32
    %c0_i32_0 = arith.constant 0 : i32
    %c0_i32_1 = arith.constant 0 : i32
    return %c0_i32, %c0_i32_0 : i32, i32
  }
  func.func @transform_3(%arg0: i32, %arg1: i32) -> (i32, i32) {
    %mul3A = arith.constant 25 : i32
    %mul3A_0 = arith.muli %arg0, %mul3A : i32
    %add3A = arith.addi %mul3A_0, %arg1 : i32
    %c0_i32 = arith.constant 0 : i32
    %c0_i32_1 = arith.constant 0 : i32
    return %add3A, %c0_i32 : i32, i32
  }
}

</mosaic_0001>

<sc_bundles>
// kernel: kernel.4.cloned.1.call-start
scs
__scs_entry_jumppad:
0x0: {  	(pc) =	sbr.rel $0x88, $3  }
0x1: {  	(tag) =	ssettag $0x0;
	lr =	simm.s32 $0x1  }
0x2: {  	[smem:$0x3F9D] =	sst lr;
	_ =	strace $0xD0000000  }
0x3: {  	_ = 	snop  }
0x4: {  	_ = 	snop  }
0x5: {  	_ = 	snop  }
0x6: {  	_ = 	snop  }
0x7: {  	_ = 	snop  }
__scs_overlays_trampoline_lowered:
0x8: {  	[smem:$0x3FAC] =	sst s0  }
0x9: {  	[smem:$0x3FAD] =	sst s1  }
0xa: {  	[smem:$0x3FAE] =	sst s2  }
0xb: {  	[smem:$0x3FAF] =	sst s3  }
0xc: {  	[smem:$0x3FB0] =	sst s4  }
0xd: {  	[smem:$0x3FB1] =	sst s5  }
0xe: {  	[smem:$0x3FB2] =	sst s6  }
0xf: {  	[smem:$0x3FB3] =	sst s7  }
0x10: {  	[smem:$0x3FB4] =	sst s8  }
0x11: {  	[smem:$0x3FB5] =	sst s9;
	s0 =	simm.s32 @!p0 $0x0  }
0x12: {  	s1 =	sld [smem:$0x3F9B];
	s0 =	simm.s32 @p0 $0x1  }
0x13: {  	[smem:$0x3FB6] =	sst s0;
	s0 =	simm.s32 @!p1 $0x0  }
0x14: {  	s2 =	sld [smem:$0x3F9A];
	s0 =	simm.s32 @p1 $0x1  }
0x15: {  	[smem:$0x3FB7] =	sst s0;
	s0 =	simm.s32 @!p2 $0x0  }
0x16: {  	s3 =	sld [smem:$0x3FDB];
	s0 =	simm.s32 @p2 $0x1  }
0x17: {  	s4 =	simm.s32 $0x1BF5;
	[smem:$0x3FB9] =	sst s0  }
0x18: {  	s0 =	sld [smem:$0x3F9C];
	_ =	swait.ge [sflag:s4], $0x0  }
0x19: {  	s7 =	sld [smem:$0x3F9D]  }
0x1a: {  	s8 =	sadd.s32 $0xFFFFE003, lr  }
0x1b: {  	s9 =	sadd.s32 $0xFFFFFEF7, lr;
	s5 =	simm.s32 $0xFFFFFFFF;
	p2 =	slt.u32 s8, $0xFFFFF086  }
0x1c: {  	p1 =	slt.u32 s9, $0xF7A;
	s5 =	simm.s32 @!p2 $0x0  }
0x1d: {  	s5 =	simm.s32 @p1 $0x1;
	p0 =	seq.s32 s7, s2  }
0x1e: {  	s7 =	smul.u32 @!p0 $0xF7A, s2;
	p2 =	seq.s32 @!p0 s5, $0x0  }
0x1f: {  	s9 =	smul.u32 $0xF7A, s1;
	s8 =	simm.s32 @!p0 $0x1BF5;
	p2 =	por !p2, p0  }
0x20: {  	[sflag:s8] =	ssyncset.s32 @!p0 $0xFFFFF086;
	s6 =	sadd.s32 @!p0 s3, s7;
	s7 =	simm.s32 @!p0 $0x108  }
0x21: {  	s3 =	sadd.s32 s3, s9;
	s6 =	sadd.s32 @!p0 $0x88, s6;
	s7 =	simm.s32 @p2 $0x1082  }
0x22: {  	[simem:s7], [sflag:s8] =	dma.local @!p0 [hbm:s6], $0xF7A  }
0x23: {  	s9 =	sor.u32 $0xD0000000, s2;
	s6 =	simm.s32 $0x108;
	_ =	swait.ge @!p0 [sflag:s8], $0x0  }
0x24: {  	s3 =	sadd.s32 $0x88, s3;
	s6 =	simm.s32 @!p1 $0x1082;
	[sflag:s4] =	ssyncset.s32 $0xFFFFF086  }
0x25: {  	[simem:s6], [sflag:s4] =	dma.local [hbm:s3], $0xF7A  }
0x26: {  	[smem:$0x3F9D] =	sst s1;
	(tag) =	ssettag s2;
	_ =	strace s9  }
0x27: {  	s1 =	sld [smem:$0x3FAD]  }
0x28: {  	s2 =	sld [smem:$0x3FAE]  }
0x29: {  	s4 =	sld [smem:$0x3FB0]  }
0x2a: {  	p0 =	seq.s32 s5, $0x0;
	s5 =	sld [smem:$0x3FB1]  }
0x2b: {  	s6 =	sld [smem:$0x3FB2]  }
0x2c: {  	s7 =	sld [smem:$0x3FB3]  }
0x2d: {  	s3 =	simm.s32 $0x108;
	s8 =	sld [smem:$0x3FB4]  }
0x2e: {  	s3 =	simm.s32 @!p0 $0x1082;
	s9 =	sld [smem:$0x3FB5]  }
0x2f: {  	lr =	sadd.s32 s0, s3;
	s0 =	sld [smem:$0x3FAC]  }
0x30: {  	s3 =	sld [smem:$0x3FAF]  }
0x31: {  	[smem:$0x3FB8] =	sst s10  }
0x32: {  	s10 =	sld [smem:$0x3FB6];
	_ =	sdelay $0x3  }
0x33: {  	p0 =	seq.s32 s10, $0x1;
	s10 =	sld [smem:$0x3FB8];
	_ =	sdelay $0x3  }
0x34: {  	[smem:$0x3FB8] =	sst s10  }
0x35: {  	s10 =	sld [smem:$0x3FB7];
	_ =	sdelay $0x3  }
0x36: {  	p1 =	seq.s32 s10, $0x1;
	s10 =	sld [smem:$0x3FB8];
	_ =	sdelay $0x3  }
0x37: {  	[smem:$0x3FB8] =	sst s10  }
0x38: {  	s10 =	sld [smem:$0x3FB9]  }
0x39: {  	_ = 	snop;
	(pc) =	sbr.ind lr, $3  }
0x3a: {  	_ = 	snop  }
0x3b: {  	_ = 	snop  }
0x3c: {  	p2 =	seq.s32 s10, $0x1;
	s10 =	sld [smem:$0x3FB8]  }
0x3d: {  	_ =	shalt  }
0x3e: {  	_ =	shalt  }
0x3f: {  	_ =	shalt  }
0x40: {  	_ =	shalt  }
0x41: {  	_ =	shalt  }
0x42: {  	_ =	shalt  }
0x43: {  	_ =	shalt  }
0x44: {  	_ =	shalt  }
0x45: {  	_ =	shalt  }
0x46: {  	_ =	shalt  }
0x47: {  	_ =	shalt  }
0x48: {  	_ =	shalt  }
0x49: {  	_ =	shalt  }
0x4a: {  	_ =	shalt  }
0x4b: {  	_ =	shalt  }
0x4c: {  	_ =	shalt  }
0x4d: {  	_ =	shalt  }
0x4e: {  	_ =	shalt  }
0x4f: {  	_ =	shalt  }
0x50: {  	_ =	shalt  }
0x51: {  	_ =	shalt  }
0x52: {  	_ =	shalt  }
0x53: {  	_ =	shalt  }
0x54: {  	_ =	shalt  }
0x55: {  	_ =	shalt  }
0x56: {  	_ =	shalt  }
0x57: {  	_ =	shalt  }
0x58: {  	_ =	shalt  }
0x59: {  	_ =	shalt  }
0x5a: {  	_ =	shalt  }
0x5b: {  	_ =	shalt  }
0x5c: {  	_ =	shalt  }
0x5d: {  	_ =	shalt  }
0x5e: {  	_ =	shalt  }
0x5f: {  	_ =	shalt  }
0x60: {  	_ =	shalt  }
0x61: {  	_ =	shalt  }
0x62: {  	_ =	shalt  }
0x63: {  	_ =	shalt  }
0x64: {  	_ =	shalt  }
0x65: {  	_ =	shalt  }
0x66: {  	_ =	shalt  }
0x67: {  	_ =	shalt  }
0x68: {  	_ =	shalt  }
0x69: {  	_ =	shalt  }
0x6a: {  	_ =	shalt  }
0x6b: {  	_ =	shalt  }
0x6c: {  	_ =	shalt  }
0x6d: {  	_ =	shalt  }
0x6e: {  	_ =	shalt  }
0x6f: {  	_ =	shalt  }
0x70: {  	_ =	shalt  }
0x71: {  	_ =	shalt  }
0x72: {  	_ =	shalt  }
0x73: {  	_ =	shalt  }
0x74: {  	_ =	shalt  }
0x75: {  	_ =	shalt  }
0x76: {  	_ =	shalt  }
0x77: {  	_ =	shalt  }
0x78: {  	_ =	shalt  }
0x79: {  	_ =	shalt  }
0x7a: {  	_ =	shalt  }
0x7b: {  	_ =	shalt  }
0x7c: {  	_ =	shalt  }
0x7d: {  	_ =	shalt  }
0x7e: {  	_ =	shalt  }
0x7f: {  	_ =	shalt  }
0x80: {  	_ =	shalt  }
0x81: {  	_ =	shalt  }
0x82: {  	_ =	shalt  }
0x83: {  	_ =	shalt  }
0x84: {  	_ =	shalt  }
0x85: {  	_ =	shalt  }
0x86: {  	_ =	shalt  }
0x87: {  	_ =	shalt  }
.Lfunc_end0:
.L_simem_size_0:
called_computation_lowered:
.L_overlay_start_0:
0x88: {  	s2 =	sld [smem:$0x3FD9]  }
0x89: {  	s3 =	sld [smem:$0x3FFE];
	_ =	sdelay $0x1  }
0x8a: {  	s1 =	srdreg.scid  }
0x8b: {  	s0 =	sand.u32 $0x1, s1  }
0x8c: {  	s17 =	sshll.u32 s0, $0xA;
	s2 =	sadd.s32 s3, s2  }
0x8d: {  	s2 =	sadd.s32 s2, s17  }
0x8e: {  	[smem:$0x3FC4] =	sst s2  }
0x8f: {  	_ = 	snop  }
0x90: {  	s2 =	sld [smem:$0x3FD0];
	(tm) =	ssettm $0x1  }
0x91: {  	s18 =	sld [smem:$0x3FFB];
	_ =	sdelay $0x3  }
0x92: {  	_ =	strace s18  }
0x93: {  	s3 =	sld [smem:$0x3FFC];
	_ =	sdelay $0x3  }
0x94: {  	_ =	strace s3  }
0x95: {  	s3 =	sld [smem:$0x3FFD];
	_ =	sdelay $0x3  }
0x96: {  	_ =	strace s3  }
0x97: {  	_ =	strace $0x8FFFFFFF  }
0x98: {  	s19 =	sld [smem:$0x3FDB];
	_ =	sdelay $0x1  }
0x99: {  	s4 =	simm.s32 $_scs_section_size  }
0x9a: {  	s5 =	simm.s32 $_size__tile_overlayer_lowered;
	s6 =	simm.s32 $_tile_overlayer_lowered  }
0x9b: {  	s22 =	simm.s32 $0x1BFF;
	s21 =	sshll.u32 s6, $0x1;
	s3 =	sadd.s32 s4, s19  }
0x9c: {  	s7 =	simm.s32 $0x0;
	s20 =	sshll.u32 s5, $0x1;
	s5 =	sadd.s32 s21, s3  }
0x9d: {  	[timem:s7], [sflag:s22] =	dma.local [hbm:s5], s20  }
0x9e: {  	_ =	swait.ge [sflag:s22], s20  }
0x9f: {  	s4 =	ssub.s32 $0x0, s20;
	[sflag:s22] =	ssyncset.done $0x0  }
0xa0: {  	[sflag:s22] =	ssyncadd.s32 s4;
	_ =	sdelay $0x1  }
0xa1: {  	s23 =	simm.s32 $0x1B8B  }
0xa2: {  	_ =	swait.ge [sflag:s23], $0x1  }
0xa3: {  	[sflag:s23] =	ssyncset.done $0x0  }
0xa4: {  	s25 =	simm.s32 $0x1B8E;
	s24 =	sld [smem:$0x3FFE];
	[sflag:s23] =	ssyncadd.s32 $0xFFFFFFFF  }
0xa5: {  	s26 =	simm.s32 $execute0_lowered;
	[smem:$0x3FD2] =	sst s25  }
0xa6: {  	s5 =	sshll.u32 s26, $0x1;
	_ =	strace $0x80000046;
	[dreg:$0x1] =	wrdreg $0xFFFFFFFF  }
0xa7: {  	s28 =	simm.s32 $_size_execute0_lowered;
	s3 =	sadd.s32 s3, s5;
	[dreg:$0x0] =	wrdreg $0x0  }
0xa8: {  	s5 =	sshll.u32 s28, $0x1;
	[dreg:$0x2] =	wrdreg s3  }
0xa9: {  	[dreg:$0x3] =	wrdreg s5  }
0xaa: {  	[dreg:$0x4] =	wrdreg $0xC0  }
0xab: {  	_ =	task [dreg:s7], $0x5FFFF  }
0xac: {  	[dreg:$0x1] =	wrdreg $0xFFFFFFFF  }
0xad: {  	[dreg:$0x0] =	wrdreg $0x60  }
0xae: {  	[dreg:$0x2] =	wrdreg s24  }
0xaf: {  	[dreg:$0x3] =	wrdreg s2  }
0xb0: {  	[dreg:$0x4] =	wrdreg $0xA8700  }
0xb1: {  	[dreg:$0x5] =	wrdreg $0x9  }
0xb2: {  	_ =	task.clear_ibuf [dreg:s7], $0x6FFFF;
	_ =	strace $0x90000046  }
0xb3: {  	s29 =	simm.s32 $0x9;
	_ =	strace $0x80000048  }
0xb4: {  	_ =	swait.ge [sflag:s29], $0x1  }
0xb5: {  	[sflag:s29] =	ssyncadd.s32 $0xFFFFFFFF  }
0xb6: {  	_ =	strace $0x90000048  }
0xb7: {  	_ =	sfence  }
0xb8: {  	s30 =	sld [smem:$0x0];
	_ =	sdelay $0x2  }
0xb9: {  	s31 =	sshll.u32 s1, $0xD;
	s1 =	sshrl.u32 s1, $0x2  }
0xba: {  	s3 =	sand.u32 $0x4000, s31;
	s1 =	sadd.s32 s1, s30  }
0xbb: {  	s0 =	sor.u32 s3, s0;
	s1 =	sshll.u32 s1, $0x11  }
0xbc: {  	s0 =	sor.u32 s1, s0  }
0xbd: {  	s0 =	sadd.s32 $0x8F2B, s0  }
0xbe: {  	[sflag:s0] =	ssyncadd.remote.s32 $0x1  }
0xbf: {  	_ =	sfence.sel $0xFFFF  }
0xc0: {  	[dreg:$0x0] =	wrdreg $0xFFFFFFFF;
	(pc) =	sbr.abs _section_cstart, $3  }
0xc1: {  	[dreg:$0x1] =	wrdreg $0xFFFFFFFF  }
0xc2: {  	_ =	task.clear_ibuf [dreg:s7], $0x2FFFF;
	_ =	strace $0x9FFFFFFF  }
0xc3: {  	(tm) =	ssettm $0x7FFFFFFF  }
tec
execute0_lowered:
.L_overlay_start_1:
0x0: {  	(tag) =	ssettag $0x1  }
0x1: {  	s0 =	rddreg [dreg:$0x0]  }
0x2: {  	s3 =	rddreg [dreg:$0x1]  }
0x3: {  	s1 =	rddreg [dreg:$0x2]  }
0x4: {  	s2 =	simm.s32 $0x0;
	s5 =	srdreg.scid;
	s12 =	stileid.u32  }
0x5: {  	s28 =	simm.s32 $0x2;
	s29 =	simm.s32 $0x0;
	[smem:$0x7FF] =	sst s2  }
0x6: {  	s4 =	sadd.s32 $0x200, s0;
	s6 =	sand.u32 $0x1, s5;
	s10 =	smul.u32 $0xB400, s12  }
0x7: {  	s8 =	sadd.s32 $0x2C200, s0;
	s21 =	sshll.u32 s12, $0x6;
	s12 =	smul.u32 $0x4E20, s12  }
0x8: {  	s5 =	sadd.s32 $0x36000, s0;
	s0 =	sadd.s32 $0x36600, s0;
	s11 =	smul.u32 $0x1388, s6  }
0x9: {  	_ =	strace $0x80000047;
	s7 =	ssub.s32 $0x2, s6;
	s6 =	smul.u32 $0xB4000, s6  }
0xa: {  	s9 =	sshrl.u32 s7, $0x1;
	s20 =	sadd.s32 s10, s1;
	s16 =	sadd.s32 $0x2D00, s10  }
0xb: {  	s17 =	sadd.s32 $0x5A00, s10;
	s18 =	sadd.s32 $0x8700, s10;
	s12 =	sshrl.u32 s12, $0x3  }
0xc: {  	s9 =	ssub.s32 s7, s9;
	[dreg:$0x4] =	wrdreg s20;
	s7 =	sor.u32 $0x1C03, s21  }
0xd: {  	s13 =	sadd.s32 s16, s1;
	s22 =	sadd.s32 s17, s1;
	s23 =	sadd.s32 s18, s1  }
0xe: {  	s24 =	sadd.s32 s8, s12;
	s14 =	sadd.s32 $0x4E2, s12;
	[dreg:$0x5] =	wrdreg s13  }
0xf: {  	s10 =	sadd.s32 s10, s6;
	s12 =	sadd.s32 s3, s12;
	[dreg:$0x6] =	wrdreg s22  }
0x10: {  	s26 =	sadd.s32 s6, s16;
	s30 =	sadd.s32 s6, s17;
	[dreg:$0x7] =	wrdreg s23  }
0x11: {  	s6 =	sadd.s32 s6, s18;
	s20 =	simm.s32 $0x3;
	[dreg:$0x8] =	wrdreg s24  }
0x12: {  	s21 =	simm.s32 $0x2710;
	[dreg:$0x9] =	wrdreg s12;
	s13 =	sadd.s32 s8, s14  }
0x13: {  	s25 =	sshrl.u32 s10, $0x3;
	s14 =	sadd.s32 s3, s14;
	s3 =	sshrl.u32 s26, $0x3  }
0x14: {  	s31 =	sshrl.u32 s30, $0x3;
	s6 =	sshrl.u32 s6, $0x3;
	s19 =	smax.u32 s9, $0x1  }
0x15: {  	v0 =	vlaneseq.u32;
	s22 =	simm.s32 $0x4E70;
	s23 =	simm.s32 $0x50;
	s24 =	simm.s32 $0x7B70  }
0x16: {  	v2 =	vadd.s32 $0x13C4, v0;
	v3 =	vadd.s32 $0x13C5, v0;
	v4 =	vadd.s32 $0x13C6, v0;
	s26 =	simm.s32 $0x4E20;
	s15 =	sadd.s32 s0, s25;
	s16 =	sadd.s32 s0, s3  }
0x17: {  	v5 =	vadd.s32 $0x13C7, v0;
	v6 =	vadd.s32 $0x1388, v0;
	v1 =	vmov s11;
	s17 =	sadd.s32 s0, s31;
	s18 =	sadd.s32 s0, s6;
	s25 =	simm.s32 $0x1  }
.LBB2_1:
0x18: {  	s0 =	rddreg [dreg:$0x4]  }
0x19: {  	s30 =	sshrl.u32 s0, $0x3  }
0x1a: {  	[spmem:s30], [sflag:s7] =	dma.local [hbm:s5], $0x5A0  }
0x1b: {  	_ =	swait.ge [sflag:s20], $0x5A0  }
0x1c: {  	[sflag:s20] =	ssyncset.done $0x0;
	s6 =	rddreg [dreg:$0x5]  }
0x1d: {  	[sflag:s20] =	ssyncadd.s32 $0xFFFFFA60;
	s31 =	sshrl.u32 s6, $0x3  }
0x1e: {  	[spmem:s31], [sflag:s7] =	dma.local [hbm:s5], $0x5A0  }
0x1f: {  	_ =	swait.ge [sflag:s20], $0x5A0  }
0x20: {  	[sflag:s20] =	ssyncset.done $0x0;
	s8 =	rddreg [dreg:$0x6]  }
0x21: {  	[sflag:s20] =	ssyncadd.s32 $0xFFFFFA60;
	s0 =	sshrl.u32 s8, $0x3  }
0x22: {  	[spmem:s0], [sflag:s7] =	dma.local [hbm:s5], $0x5A0  }
0x23: {  	_ =	swait.ge [sflag:s20], $0x5A0  }
0x24: {  	[sflag:s20] =	ssyncset.done $0x0;
	s3 =	rddreg [dreg:$0x7]  }
0x25: {  	[sflag:s20] =	ssyncadd.s32 $0xFFFFFA60;
	s3 =	sshrl.u32 s3, $0x3  }
0x26: {  	[spmem:s3], [sflag:s7] =	dma.local [hbm:s5], $0x5A0  }
0x27: {  	_ =	swait.ge [sflag:s20], $0x5A0  }
0x28: {  	[sflag:s20] =	ssyncset.done $0x0  }
0x29: {  	[sflag:s20] =	ssyncadd.s32 $0xFFFFFA60  }
0x2a: {  	[bflag:$0x0] =	sbarrier.arrive $0xFFFF  }
0x2b: {  	s6 =	rddreg [dreg:$0x8]  }
0x2c: {  	[tilespmem:s2], [sflag:$0x3] =	stream.linear.gather [hbm4b:s6+s2], $0x2710, $0x38;
	[tilespmem:$0x15C70] =	vst v63  }
0x2d: {  	_ =	swait.ge [sflag:s20], $0x2710  }
0x2e: {  	[sflag:s20] =	ssyncset.done $0x0  }
0x2f: {  	s9 =	rddreg [dreg:$0x9];
	[sflag:s20] =	ssyncadd.s32 $0xFFFFD8F0  }
0x30: {  	[tilespmem:s21], [sflag:$0x3] =	stream.linear.gather [hbm4b:s9+s2], $0x2710, $0x38;
	[tilespmem:$0x15C70] =	vst v63  }
0x31: {  	_ =	swait.ge [sflag:s20], $0x2710  }
0x32: {  	[sflag:s20] =	ssyncset.done $0x0  }
0x33: {  	[sflag:s20] =	ssyncadd.s32 $0xFFFFD8F0  }
0x34: {  	[tilespmem:s22], [sflag:$0x1] =	stream.indirect.gather [hbm4b:s4+s23], $0x90, s2, s23, $0xb8;
	[tilespmem:$0x15C70] =	vst v63  }
0x35: {  	_ = 	snop  }
0x36: {  	[tilespmem:s24], [sflag:$0x2] =	stream.indirect.gather [hbm4b:s4+s23], $0x90, s23, s23, $0xb8;
	[tilespmem:$0x15C70] =	vst v63  }
0x37: {  	_ =	swait.ge [sflag:s25], $0x2D00  }
0x38: {  	[sflag:s25] =	ssyncset.done $0x0  }
0x39: {  	s6 =	simm.s32 $0x2760;
	[sflag:s25] =	ssyncadd.s32 $0xFFFFD300  }
0x3a: {  	v7 =	vld [tilespmem:s6+$0xFFFFFFB0];
	_ =	sdelay $0x3  }
0x3b: {  	s8 =	sand.u32 $0x3E, s2  }
0x3c: {  	s8 =	sadd.s32 $0x1388, s8;
	v7 =	vsub.s32 v7, v1  }
0x3d: {  	v8 =	vadd.s32 s8, v0;
	vm0 =	vlt.u32 v7, $0x1388  }
0x3e: {  	v7 =	vsel vm0, v7, v8  }
0x3f: {  	[tilespmem:$0x4E20] =	vst v7  }
0x40: {  	v7 =	vld [tilespmem:s6+$0xFFFFFFC0];
	_ =	sdelay $0x2  }
0x41: {  	s10 =	simm.s32 $0x1  }
0x42: {  	s8 =	sand.u32 $0x3F, s10  }
0x43: {  	s8 =	sadd.s32 $0x1388, s8;
	v7 =	vsub.s32 v7, v1  }
0x44: {  	v8 =	vadd.s32 s8, v0;
	vm7 =	vlt.u32 v7, $0x1388  }
0x45: {  	v7 =	vsel vm7, v7, v8  }
0x46: {  	[tilespmem:$0x4E30] =	vst v7  }
0x47: {  	v7 =	vld [tilespmem:s6+$0xFFFFFFD0];
	_ =	sdelay $0x2  }
0x48: {  	s9 =	simm.s32 $0x2  }
0x49: {  	s11 =	sand.u32 $0x3E, s9  }
0x4a: {  	s8 =	sadd.s32 $0x1388, s11;
	v7 =	vsub.s32 v7, v1  }
0x4b: {  	v9 =	vadd.s32 s8, v0;
	vm8 =	vlt.u32 v7, $0x1388  }
0x4c: {  	v7 =	vsel vm8, v7, v9  }
0x4d: {  	[tilespmem:$0x4E40] =	vst v7  }
0x4e: {  	v7 =	vld [tilespmem:s6+$0xFFFFFFE0];
	_ =	sdelay $0x2  }
0x4f: {  	s12 =	simm.s32 $0x3  }
0x50: {  	s8 =	sand.u32 $0x3F, s12  }
0x51: {  	s8 =	sadd.s32 $0x1388, s8;
	v7 =	vsub.s32 v7, v1  }
0x52: {  	v10 =	vadd.s32 s8, v0;
	vm9 =	vlt.u32 v7, $0x1388  }
0x53: {  	v7 =	vsel vm9, v7, v10  }
0x54: {  	[tilespmem:$0x4E50] =	vst v7  }
0x55: {  	v7 =	vld [tilespmem:s6+$0xFFFFFFF0];
	_ =	sdelay $0x2  }
0x56: {  	s10 =	simm.s32 $0x4  }
0x57: {  	s8 =	sand.u32 $0x3E, s10  }
0x58: {  	s8 =	sadd.s32 $0x1388, s8;
	v7 =	vsub.s32 v7, v1  }
0x59: {  	v11 =	vadd.s32 s8, v0;
	vm10 =	vlt.u32 v7, $0x1388  }
0x5a: {  	v7 =	vsel vm10, v7, v11  }
0x5b: {  	[tilespmem:$0x4E60] =	vst v7  }
0x5c: {  	[spmem:s1] =	stream.indirect.scatter.add.f32 [tilespmem:s22], [sflag:$0x3], $0x90, s26, s23, $0xb8;
	[tilespmem:$0x15C70] =	vst v63  }
0x5d: {  	_ =	swait.ge [sflag:s20], $0x2D00  }
0x5e: {  	[sflag:s20] =	ssyncset.done $0x0  }
0x5f: {  	s11 =	simm.s32 $0xA0;
	[sflag:s20] =	ssyncadd.s32 $0xFFFFD300  }
0x60: {  	[tilespmem:s22], [sflag:$0x1] =	stream.indirect.gather [hbm4b:s4+s23], $0x90, s11, s23, $0xb8;
	[tilespmem:$0x15C70] =	vst v63  }
0x61: {  	_ =	swait.ge [sflag:s28], $0x2D00  }
0x62: {  	[sflag:s28] =	ssyncset.done $0x0  }
0x63: {  	[sflag:s28] =	ssyncadd.s32 $0xFFFFD300  }
0x64: {  	v7 =	vld [tilespmem:s6+$0x0];
	_ =	sdelay $0x4  }
0x65: {  	v7 =	vsub.s32 v7, v1  }
0x66: {  	vm11 =	vlt.u32 v7, $0x1388  }
0x67: {  	v7 =	vsel vm11, v7, v8  }
0x68: {  	[tilespmem:$0x4E20] =	vst v7  }
0x69: {  	v7 =	vld [tilespmem:s6+$0x10];
	_ =	sdelay $0x4  }
0x6a: {  	v7 =	vsub.s32 v7, v1  }
0x6b: {  	vm12 =	vlt.u32 v7, $0x1388  }
0x6c: {  	v7 =	vsel vm12, v7, v9  }
0x6d: {  	[tilespmem:$0x4E30] =	vst v7  }
0x6e: {  	v7 =	vld [tilespmem:s6+$0x20];
	_ =	sdelay $0x4  }
0x6f: {  	v7 =	vsub.s32 v7, v1  }
0x70: {  	vm13 =	vlt.u32 v7, $0x1388  }
0x71: {  	v7 =	vsel vm13, v7, v10  }
0x72: {  	[tilespmem:$0x4E40] =	vst v7  }
0x73: {  	v7 =	vld [tilespmem:s6+$0x30];
	_ =	sdelay $0x4  }
0x74: {  	v7 =	vsub.s32 v7, v1  }
0x75: {  	vm14 =	vlt.u32 v7, $0x1388  }
0x76: {  	v7 =	vsel vm14, v7, v11  }
0x77: {  	[tilespmem:$0x4E50] =	vst v7  }
0x78: {  	v7 =	vld [tilespmem:s6+$0x40];
	_ =	sdelay $0x2  }
0x79: {  	s12 =	simm.s32 $0x5  }
0x7a: {  	s6 =	sand.u32 $0x3F, s12  }
0x7b: {  	s6 =	sadd.s32 $0x1388, s6;
	v7 =	vsub.s32 v7, v1  }
0x7c: {  	v8 =	vadd.s32 s6, v0;
	vm15 =	vlt.u32 v7, $0x1388  }
0x7d: {  	v7 =	vsel vm15, v7, v8  }
0x7e: {  	[tilespmem:$0x4E60] =	vst v7  }
0x7f: {  	[spmem:s1] =	stream.indirect.scatter.add.f32 [tilespmem:s24], [sflag:$0x3], $0x90, s26, s23, $0xb8;
	[tilespmem:$0x15C70] =	vst v63  }
0x80: {  	_ =	swait.ge [sflag:s20], $0x2D00  }
0x81: {  	s8 =	simm.s32 $0x50;
	s6 =	simm.s32 $0x2800;
	[sflag:s20] =	ssyncset.done $0x0  }
.LBB2_2:
0x82: {  	[sflag:s20] =	ssyncadd.s32 $0xFFFFD300  }
0x83: {  	s8 =	sadd.s32 $0xA0, s8;
	s10 =	smov.u32 s9;
	s11 =	sadd.s32 $0x2, s9  }
0x84: {  	[tilespmem:s24], [sflag:$0x2] =	stream.indirect.gather [hbm4b:s4+s23], $0x90, s8, s23, $0xb8;
	[tilespmem:$0x15C70] =	vst v63  }
0x85: {  	p0 =	sne.s32 s9, $0x7A;
	s12 =	sand.u32 $0x3E, s11;
	_ =	swait.ge [sflag:s25], $0x2D00  }
0x86: {  	s9 =	sadd.s32 $0x1388, s12;
	[sflag:s25] =	ssyncset.done $0x0  }
0x87: {  	[sflag:s25] =	ssyncadd.s32 $0xFFFFD300  }
0x88: {  	v7 =	vld [tilespmem:s6+$0xFFFFFFB0];
	_ =	sdelay $0x3  }
0x89: {  	s12 =	sand.u32 $0x3E, s10  }
0x8a: {  	s12 =	sadd.s32 $0x1388, s12;
	v7 =	vsub.s32 v7, v1  }
0x8b: {  	v8 =	vadd.s32 s12, v0;
	vm0 =	vlt.u32 v7, $0x1388  }
0x8c: {  	v7 =	vsel vm0, v7, v8  }
0x8d: {  	[tilespmem:$0x4E20] =	vst v7  }
0x8e: {  	v7 =	vld [tilespmem:s6+$0xFFFFFFC0];
	_ =	sdelay $0x2  }
0x8f: {  	s12 =	sadd.s32 $0x1, s10  }
0x90: {  	s12 =	sand.u32 $0x3F, s12  }
0x91: {  	s12 =	sadd.s32 $0x1388, s12;
	v7 =	vsub.s32 v7, v1  }
0x92: {  	v8 =	vadd.s32 s12, v0;
	vm0 =	vlt.u32 v7, $0x1388  }
0x93: {  	v7 =	vsel vm0, v7, v8  }
0x94: {  	[tilespmem:$0x4E30] =	vst v7  }
0x95: {  	v7 =	vld [tilespmem:s6+$0xFFFFFFD0];
	_ =	sdelay $0x4  }
0x96: {  	v7 =	vsub.s32 v7, v1  }
0x97: {  	v9 =	vadd.s32 s9, v0;
	vm0 =	vlt.u32 v7, $0x1388  }
0x98: {  	v7 =	vsel vm0, v7, v9  }
0x99: {  	[tilespmem:$0x4E40] =	vst v7  }
0x9a: {  	v7 =	vld [tilespmem:s6+$0xFFFFFFE0];
	_ =	sdelay $0x2  }
0x9b: {  	s9 =	sadd.s32 $0x3, s10  }
0x9c: {  	s9 =	sand.u32 $0x3F, s9  }
0x9d: {  	s9 =	sadd.s32 $0x1388, s9;
	v7 =	vsub.s32 v7, v1  }
0x9e: {  	v10 =	vadd.s32 s9, v0;
	vm0 =	vlt.u32 v7, $0x1388  }
0x9f: {  	v7 =	vsel vm0, v7, v10  }
0xa0: {  	[tilespmem:$0x4E50] =	vst v7  }
0xa1: {  	v7 =	vld [tilespmem:s6+$0xFFFFFFF0];
	_ =	sdelay $0x2  }
0xa2: {  	s9 =	sadd.s32 $0x4, s10  }
0xa3: {  	s9 =	sand.u32 $0x3E, s9  }
0xa4: {  	s9 =	sadd.s32 $0x1388, s9;
	v7 =	vsub.s32 v7, v1  }
0xa5: {  	v11 =	vadd.s32 s9, v0;
	vm0 =	vlt.u32 v7, $0x1388  }
0xa6: {  	v7 =	vsel vm0, v7, v11  }
0xa7: {  	[tilespmem:$0x4E60] =	vst v7  }
0xa8: {  	[spmem:s1] =	stream.indirect.scatter.add.f32 [tilespmem:s22], [sflag:$0x3], $0x90, s26, s23, $0xb8;
	[tilespmem:$0x15C70] =	vst v63  }
0xa9: {  	_ =	swait.ge [sflag:s20], $0x2D00  }
0xaa: {  	[sflag:s20] =	ssyncset.done $0x0  }
0xab: {  	s9 =	sadd.s32 $0x50, s8;
	[sflag:s20] =	ssyncadd.s32 $0xFFFFD300  }
0xac: {  	[tilespmem:s22], [sflag:$0x1] =	stream.indirect.gather [hbm4b:s4+s23], $0x90, s9, s23, $0xb8;
	[tilespmem:$0x15C70] =	vst v63  }
0xad: {  	_ =	swait.ge [sflag:s28], $0x2D00  }
0xae: {  	[sflag:s28] =	ssyncset.done $0x0  }
0xaf: {  	[sflag:s28] =	ssyncadd.s32 $0xFFFFD300  }
0xb0: {  	v7 =	vld [tilespmem:s6+$0x0];
	_ =	sdelay $0x4  }
0xb1: {  	v7 =	vsub.s32 v7, v1  }
0xb2: {  	vm0 =	vlt.u32 v7, $0x1388  }
0xb3: {  	v7 =	vsel vm0, v7, v8  }
0xb4: {  	[tilespmem:$0x4E20] =	vst v7  }
0xb5: {  	v7 =	vld [tilespmem:s6+$0x10];
	_ =	sdelay $0x4  }
0xb6: {  	v7 =	vsub.s32 v7, v1  }
0xb7: {  	vm0 =	vlt.u32 v7, $0x1388  }
0xb8: {  	v7 =	vsel vm0, v7, v9  }
0xb9: {  	[tilespmem:$0x4E30] =	vst v7  }
0xba: {  	v7 =	vld [tilespmem:s6+$0x20];
	_ =	sdelay $0x4  }
0xbb: {  	v7 =	vsub.s32 v7, v1  }
0xbc: {  	vm0 =	vlt.u32 v7, $0x1388  }
0xbd: {  	v7 =	vsel vm0, v7, v10  }
0xbe: {  	[tilespmem:$0x4E40] =	vst v7  }
0xbf: {  	v7 =	vld [tilespmem:s6+$0x30];
	_ =	sdelay $0x4  }
0xc0: {  	v7 =	vsub.s32 v7, v1  }
0xc1: {  	vm0 =	vlt.u32 v7, $0x1388  }
0xc2: {  	v7 =	vsel vm0, v7, v11  }
0xc3: {  	[tilespmem:$0x4E50] =	vst v7  }
0xc4: {  	v7 =	vld [tilespmem:s6+$0x40];
	_ =	sdelay $0x2  }
0xc5: {  	s9 =	sadd.s32 $0x5, s10  }
0xc6: {  	s9 =	sand.u32 $0x3F, s9  }
0xc7: {  	s9 =	sadd.s32 $0x1388, s9;
	v7 =	vsub.s32 v7, v1  }
0xc8: {  	v8 =	vadd.s32 s9, v0;
	vm0 =	vlt.u32 v7, $0x1388  }
.Ltmp0:
0xc9: {  	v7 =	vsel vm0, v7, v8;
	(pc) =	sbr.rel @p0 .LBB2_2-.Ltmp0, $4  }
0xca: {  	[tilespmem:$0x4E60] =	vst v7  }
0xcb: {  	[spmem:s1] =	stream.indirect.scatter.add.f32 [tilespmem:s24], [sflag:$0x3], $0x90, s26, s23, $0xb8;
	[tilespmem:$0x15C70] =	vst v63  }
0xcc: {  	_ =	swait.ge [sflag:s20], $0x2D00  }
0xcd: {  	s9 =	smov.u32 s11;
	s6 =	sadd.s32 $0xA0, s6;
	[sflag:s20] =	ssyncset.done $0x0  }
0xce: {  	[sflag:s20] =	ssyncadd.s32 $0xFFFFD300  }
0xcf: {  	_ =	swait.ge [sflag:s25], $0x2D00  }
0xd0: {  	[sflag:s25] =	ssyncset.done $0x0  }
0xd1: {  	[sflag:s25] =	ssyncadd.s32 $0xFFFFD300  }
0xd2: {  	v7 =	vld [tilespmem:$0x4DD0]  }
0xd3: {  	v8 =	vld [tilespmem:$0x4DE0]  }
0xd4: {  	v9 =	vld [tilespmem:$0x4DF0]  }
0xd5: {  	v10 =	vld [tilespmem:$0x4E00]  }
0xd6: {  	v11 =	vld [tilespmem:$0x4E10]  }
0xd7: {  	v7 =	vsub.s32 v7, v1  }
0xd8: {  	v8 =	vsub.s32 v8, v1;
	vm0 =	vlt.u32 v7, $0x1388  }
0xd9: {  	v9 =	vsub.s32 v9, v1;
	vm14 =	vlt.u32 v8, $0x1388;
	v7 =	vsel vm0, v7, v2  }
0xda: {  	vm15 =	vlt.u32 v9, $0x1388;
	[tilespmem:$0x4E20] =	vst v7;
	v7 =	vsel vm14, v8, v3;
	v8 =	vsub.s32 v10, v1  }
0xdb: {  	v60 =	vsub.s32 v11, v1;
	[tilespmem:$0x4E30] =	vst v7;
	v7 =	vsel vm15, v9, v4;
	vm4 =	vlt.u32 v8, $0x1388  }
0xdc: {  	vm5 =	vlt.u32 v60, $0x1388;
	[tilespmem:$0x4E40] =	vst v7;
	v7 =	vsel vm4, v8, v5  }
0xdd: {  	[tilespmem:$0x4E50] =	vst v7;
	v7 =	vsel vm5, v60, v6  }
0xde: {  	s6 =	simm.s32 $0x50;
	[tilespmem:$0x4E60] =	vst v7  }
0xdf: {  	[spmem:s1] =	stream.indirect.scatter.add.f32 [tilespmem:s22], [sflag:$0x3], $0x90, s26, s6, $0xb8;
	[tilespmem:$0x15C70] =	vst v63  }
0xe0: {  	_ =	swait.ge [sflag:s20], $0x2D00  }
0xe1: {  	[sflag:s20] =	ssyncset.done $0x0  }
0xe2: {  	s9 =	simm.s32 $0x0;
	[sflag:s20] =	ssyncadd.s32 $0xFFFFD300  }
0xe3: {  	[tilespmem:s9], [sflag:$0x3] =	stream.linear.gather [hbm4b:s13+s9], $0x2710, $0x38;
	[tilespmem:$0x15C70] =	vst v63  }
0xe4: {  	_ =	swait.ge [sflag:s20], $0x2710  }
0xe5: {  	[sflag:s20] =	ssyncset.done $0x0  }
0xe6: {  	[sflag:s20] =	ssyncadd.s32 $0xFFFFD8F0  }
0xe7: {  	[tilespmem:s21], [sflag:$0x3] =	stream.linear.gather [hbm4b:s14+s9], $0x2710, $0x38;
	[tilespmem:$0x15C70] =	vst v63  }
0xe8: {  	_ =	swait.ge [sflag:s20], $0x2710  }
0xe9: {  	[sflag:s20] =	ssyncset.done $0x0  }
0xea: {  	[sflag:s20] =	ssyncadd.s32 $0xFFFFD8F0  }
0xeb: {  	[tilespmem:s22], [sflag:$0x1] =	stream.indirect.gather [hbm4b:s4+s6], $0x90, s9, s6, $0xb8;
	[tilespmem:$0x15C70] =	vst v63  }
0xec: {  	_ = 	snop  }
0xed: {  	[tilespmem:s24], [sflag:$0x2] =	stream.indirect.gather [hbm4b:s4+s23], $0x90, s6, s23, $0xb8;
	[tilespmem:$0x15C70] =	vst v63  }
0xee: {  	_ =	swait.ge [sflag:s25], $0x2D00  }
0xef: {  	[sflag:s25] =	ssyncset.done $0x0  }
0xf0: {  	s8 =	simm.s32 $0x2760;
	[sflag:s25] =	ssyncadd.s32 $0xFFFFD300  }
0xf1: {  	v7 =	vld [tilespmem:s8+$0xFFFFFFB0];
	_ =	sdelay $0x3  }
0xf2: {  	s9 =	sand.u32 $0x3E, s9  }
0xf3: {  	s9 =	sadd.s32 $0x1388, s9;
	v7 =	vsub.s32 v7, v1  }
0xf4: {  	v8 =	vadd.s32 s9, v0;
	vm6 =	vlt.u32 v7, $0x1388  }
0xf5: {  	v7 =	vsel vm6, v7, v8  }
0xf6: {  	[tilespmem:$0x4E20] =	vst v7  }
0xf7: {  	v7 =	vld [tilespmem:s8+$0xFFFFFFC0];
	_ =	sdelay $0x2  }
0xf8: {  	s11 =	simm.s32 $0x1  }
0xf9: {  	s9 =	sand.u32 $0x3F, s11  }
0xfa: {  	s9 =	sadd.s32 $0x1388, s9;
	v7 =	vsub.s32 v7, v1  }
0xfb: {  	v8 =	vadd.s32 s9, v0;
	vm7 =	vlt.u32 v7, $0x1388  }
0xfc: {  	v7 =	vsel vm7, v7, v8  }
0xfd: {  	[tilespmem:$0x4E30] =	vst v7  }
0xfe: {  	v7 =	vld [tilespmem:s8+$0xFFFFFFD0];
	_ =	sdelay $0x2  }
0xff: {  	s11 =	simm.s32 $0x2  }
0x100: {  	s12 =	sand.u32 $0x3E, s11  }
0x101: {  	s9 =	sadd.s32 $0x1388, s12;
	v7 =	vsub.s32 v7, v1  }
0x102: {  	v61 =	vadd.s32 s9, v0;
	vm8 =	vlt.u32 v7, $0x1388  }
0x103: {  	v7 =	vsel vm8, v7, v61  }
0x104: {  	[tilespmem:$0x4E40] =	vst v7  }
0x105: {  	v7 =	vld [tilespmem:s8+$0xFFFFFFE0];
	_ =	sdelay $0x2  }
0x106: {  	s10 =	simm.s32 $0x3  }
0x107: {  	s9 =	sand.u32 $0x3F, s10  }
0x108: {  	s9 =	sadd.s32 $0x1388, s9;
	v7 =	vsub.s32 v7, v1  }
0x109: {  	v62 =	vadd.s32 s9, v0;
	vm9 =	vlt.u32 v7, $0x1388  }
0x10a: {  	v7 =	vsel vm9, v7, v62  }
0x10b: {  	[tilespmem:$0x4E50] =	vst v7  }
0x10c: {  	v7 =	vld [tilespmem:s8+$0xFFFFFFF0];
	_ =	sdelay $0x2  }
0x10d: {  	s12 =	simm.s32 $0x4  }
0x10e: {  	s9 =	sand.u32 $0x3E, s12  }
0x10f: {  	s9 =	sadd.s32 $0x1388, s9;
	v7 =	vsub.s32 v7, v1  }
0x110: {  	v63 =	vadd.s32 s9, v0;
	vm10 =	vlt.u32 v7, $0x1388  }
0x111: {  	v7 =	vsel vm10, v7, v63  }
0x112: {  	[tilespmem:$0x4E60] =	vst v7  }
0x113: {  	[spmem:s1] =	stream.indirect.scatter.add.f32 [tilespmem:s22], [sflag:$0x3], $0x90, s26, s23, $0xb8;
	[tilespmem:$0x15C70] =	vst v63  }
0x114: {  	_ =	swait.ge [sflag:s20], $0x2D00  }
0x115: {  	[sflag:s20] =	ssyncset.done $0x0  }
0x116: {  	s10 =	simm.s32 $0xA0;
	[sflag:s20] =	ssyncadd.s32 $0xFFFFD300  }
0x117: {  	[tilespmem:s22], [sflag:$0x1] =	stream.indirect.gather [hbm4b:s4+s23], $0x90, s10, s23, $0xb8;
	[tilespmem:$0x15C70] =	vst v63  }
0x118: {  	_ =	swait.ge [sflag:s28], $0x2D00  }
0x119: {  	[sflag:s28] =	ssyncset.done $0x0  }
0x11a: {  	[sflag:s28] =	ssyncadd.s32 $0xFFFFD300  }
0x11b: {  	v7 =	vld [tilespmem:s8+$0x0];
	_ =	sdelay $0x4  }
0x11c: {  	v7 =	vsub.s32 v7, v1  }
0x11d: {  	vm11 =	vlt.u32 v7, $0x1388  }
0x11e: {  	v7 =	vsel vm11, v7, v8  }
0x11f: {  	[tilespmem:$0x4E20] =	vst v7  }
0x120: {  	v7 =	vld [tilespmem:s8+$0x10];
	_ =	sdelay $0x4  }
0x121: {  	v7 =	vsub.s32 v7, v1  }
0x122: {  	vm12 =	vlt.u32 v7, $0x1388  }
0x123: {  	v7 =	vsel vm12, v7, v61  }
0x124: {  	[tilespmem:$0x4E30] =	vst v7  }
0x125: {  	v7 =	vld [tilespmem:s8+$0x20];
	_ =	sdelay $0x4  }
0x126: {  	v7 =	vsub.s32 v7, v1  }
0x127: {  	vm13 =	vlt.u32 v7, $0x1388  }
0x128: {  	v7 =	vsel vm13, v7, v62  }
0x129: {  	[tilespmem:$0x4E40] =	vst v7  }
0x12a: {  	v7 =	vld [tilespmem:s8+$0x30];
	_ =	sdelay $0x4  }
0x12b: {  	v7 =	vsub.s32 v7, v1  }
0x12c: {  	vm14 =	vlt.u32 v7, $0x1388  }
0x12d: {  	v7 =	vsel vm14, v7, v63  }
0x12e: {  	[tilespmem:$0x4E50] =	vst v7  }
0x12f: {  	v7 =	vld [tilespmem:s8+$0x40];
	_ =	sdelay $0x2  }
0x130: {  	s12 =	simm.s32 $0x5  }
0x131: {  	s8 =	sand.u32 $0x3F, s12  }
0x132: {  	s8 =	sadd.s32 $0x1388, s8;
	v7 =	vsub.s32 v7, v1  }
0x133: {  	v8 =	vadd.s32 s8, v0;
	vm15 =	vlt.u32 v7, $0x1388  }
0x134: {  	v7 =	vsel vm15, v7, v8  }
0x135: {  	[tilespmem:$0x4E60] =	vst v7  }
0x136: {  	[spmem:s1] =	stream.indirect.scatter.add.f32 [tilespmem:s24], [sflag:$0x3], $0x90, s26, s23, $0xb8;
	[tilespmem:$0x15C70] =	vst v63  }
0x137: {  	_ =	swait.ge [sflag:s20], $0x2D00  }
0x138: {  	s8 =	simm.s32 $0x2800;
	[sflag:s20] =	ssyncset.done $0x0  }
.LBB2_4:
0x139: {  	[sflag:s20] =	ssyncadd.s32 $0xFFFFD300  }
0x13a: {  	s6 =	sadd.s32 $0xA0, s6;
	s10 =	smov.u32 s11;
	s9 =	sadd.s32 $0x2, s11  }
0x13b: {  	[tilespmem:s24], [sflag:$0x2] =	stream.indirect.gather [hbm4b:s4+s23], $0x90, s6, s23, $0xb8;
	[tilespmem:$0x15C70] =	vst v63  }
0x13c: {  	p0 =	sne.s32 s11, $0x7A;
	s12 =	sand.u32 $0x3E, s9;
	_ =	swait.ge [sflag:s25], $0x2D00  }
0x13d: {  	s11 =	sadd.s32 $0x1388, s12;
	[sflag:s25] =	ssyncset.done $0x0  }
0x13e: {  	[sflag:s25] =	ssyncadd.s32 $0xFFFFD300  }
0x13f: {  	v7 =	vld [tilespmem:s8+$0xFFFFFFB0];
	_ =	sdelay $0x3  }
0x140: {  	s12 =	sand.u32 $0x3E, s10  }
0x141: {  	s12 =	sadd.s32 $0x1388, s12;
	v7 =	vsub.s32 v7, v1  }
0x142: {  	v8 =	vadd.s32 s12, v0;
	vm0 =	vlt.u32 v7, $0x1388  }
0x143: {  	v7 =	vsel vm0, v7, v8  }
0x144: {  	[tilespmem:$0x4E20] =	vst v7  }
0x145: {  	v7 =	vld [tilespmem:s8+$0xFFFFFFC0];
	_ =	sdelay $0x2  }
0x146: {  	s12 =	sadd.s32 $0x1, s10  }
0x147: {  	s12 =	sand.u32 $0x3F, s12  }
0x148: {  	s12 =	sadd.s32 $0x1388, s12;
	v7 =	vsub.s32 v7, v1  }
0x149: {  	v8 =	vadd.s32 s12, v0;
	vm0 =	vlt.u32 v7, $0x1388  }
0x14a: {  	v7 =	vsel vm0, v7, v8  }
0x14b: {  	[tilespmem:$0x4E30] =	vst v7  }
0x14c: {  	v7 =	vld [tilespmem:s8+$0xFFFFFFD0];
	_ =	sdelay $0x4  }
0x14d: {  	v7 =	vsub.s32 v7, v1  }
0x14e: {  	v9 =	vadd.s32 s11, v0;
	vm0 =	vlt.u32 v7, $0x1388  }
0x14f: {  	v7 =	vsel vm0, v7, v9  }
0x150: {  	[tilespmem:$0x4E40] =	vst v7  }
0x151: {  	v7 =	vld [tilespmem:s8+$0xFFFFFFE0];
	_ =	sdelay $0x2  }
0x152: {  	s11 =	sadd.s32 $0x3, s10  }
0x153: {  	s11 =	sand.u32 $0x3F, s11  }
0x154: {  	s11 =	sadd.s32 $0x1388, s11;
	v7 =	vsub.s32 v7, v1  }
0x155: {  	v10 =	vadd.s32 s11, v0;
	vm0 =	vlt.u32 v7, $0x1388  }
0x156: {  	v7 =	vsel vm0, v7, v10  }
0x157: {  	[tilespmem:$0x4E50] =	vst v7  }
0x158: {  	v7 =	vld [tilespmem:s8+$0xFFFFFFF0];
	_ =	sdelay $0x2  }
0x159: {  	s11 =	sadd.s32 $0x4, s10  }
0x15a: {  	s11 =	sand.u32 $0x3E, s11  }
0x15b: {  	s11 =	sadd.s32 $0x1388, s11;
	v7 =	vsub.s32 v7, v1  }
0x15c: {  	v11 =	vadd.s32 s11, v0;
	vm0 =	vlt.u32 v7, $0x1388  }
0x15d: {  	v7 =	vsel vm0, v7, v11  }
0x15e: {  	[tilespmem:$0x4E60] =	vst v7  }
0x15f: {  	[spmem:s1] =	stream.indirect.scatter.add.f32 [tilespmem:s22], [sflag:$0x3], $0x90, s26, s23, $0xb8;
	[tilespmem:$0x15C70] =	vst v63  }
0x160: {  	_ =	swait.ge [sflag:s20], $0x2D00  }
0x161: {  	[sflag:s20] =	ssyncset.done $0x0  }
0x162: {  	s11 =	sadd.s32 $0x50, s6;
	[sflag:s20] =	ssyncadd.s32 $0xFFFFD300  }
0x163: {  	[tilespmem:s22], [sflag:$0x1] =	stream.indirect.gather [hbm4b:s4+s23], $0x90, s11, s23, $0xb8;
	[tilespmem:$0x15C70] =	vst v63  }
0x164: {  	_ =	swait.ge [sflag:s28], $0x2D00  }
0x165: {  	[sflag:s28] =	ssyncset.done $0x0  }
0x166: {  	[sflag:s28] =	ssyncadd.s32 $0xFFFFD300  }
0x167: {  	v7 =	vld [tilespmem:s8+$0x0];
	_ =	sdelay $0x4  }
0x168: {  	v7 =	vsub.s32 v7, v1  }
0x169: {  	vm0 =	vlt.u32 v7, $0x1388  }
0x16a: {  	v7 =	vsel vm0, v7, v8  }
0x16b: {  	[tilespmem:$0x4E20] =	vst v7  }
0x16c: {  	v7 =	vld [tilespmem:s8+$0x10];
	_ =	sdelay $0x4  }
0x16d: {  	v7 =	vsub.s32 v7, v1  }
0x16e: {  	vm0 =	vlt.u32 v7, $0x1388  }
0x16f: {  	v7 =	vsel vm0, v7, v9  }
0x170: {  	[tilespmem:$0x4E30] =	vst v7  }
0x171: {  	v7 =	vld [tilespmem:s8+$0x20];
	_ =	sdelay $0x4  }
0x172: {  	v7 =	vsub.s32 v7, v1  }
0x173: {  	vm0 =	vlt.u32 v7, $0x1388  }
0x174: {  	v7 =	vsel vm0, v7, v10  }
0x175: {  	[tilespmem:$0x4E40] =	vst v7  }
0x176: {  	v7 =	vld [tilespmem:s8+$0x30];
	_ =	sdelay $0x4  }
0x177: {  	v7 =	vsub.s32 v7, v1  }
0x178: {  	vm0 =	vlt.u32 v7, $0x1388  }
0x179: {  	v7 =	vsel vm0, v7, v11  }
0x17a: {  	[tilespmem:$0x4E50] =	vst v7  }
0x17b: {  	v7 =	vld [tilespmem:s8+$0x40];
	_ =	sdelay $0x2  }
0x17c: {  	s10 =	sadd.s32 $0x5, s10  }
0x17d: {  	s10 =	sand.u32 $0x3F, s10  }
0x17e: {  	s10 =	sadd.s32 $0x1388, s10;
	v7 =	vsub.s32 v7, v1  }
0x17f: {  	v8 =	vadd.s32 s10, v0;
	vm0 =	vlt.u32 v7, $0x1388  }
.Ltmp1:
0x180: {  	v7 =	vsel vm0, v7, v8;
	(pc) =	sbr.rel @p0 .LBB2_4-.Ltmp1, $4  }
0x181: {  	[tilespmem:$0x4E60] =	vst v7  }
0x182: {  	[spmem:s1] =	stream.indirect.scatter.add.f32 [tilespmem:s24], [sflag:$0x3], $0x90, s26, s23, $0xb8;
	[tilespmem:$0x15C70] =	vst v63  }
0x183: {  	_ =	swait.ge [sflag:s20], $0x2D00  }
0x184: {  	s11 =	smov.u32 s9;
	s8 =	sadd.s32 $0xA0, s8;
	[sflag:s20] =	ssyncset.done $0x0  }
0x185: {  	[sflag:s20] =	ssyncadd.s32 $0xFFFFD300  }
0x186: {  	_ =	swait.ge [sflag:s25], $0x2D00  }
0x187: {  	[sflag:s25] =	ssyncset.done $0x0  }
0x188: {  	[sflag:s25] =	ssyncadd.s32 $0xFFFFD300  }
0x189: {  	v7 =	vld [tilespmem:$0x4DD0]  }
0x18a: {  	v8 =	vld [tilespmem:$0x4DE0]  }
0x18b: {  	v9 =	vld [tilespmem:$0x4DF0]  }
0x18c: {  	v10 =	vld [tilespmem:$0x4E00]  }
0x18d: {  	v11 =	vld [tilespmem:$0x4E10]  }
0x18e: {  	v7 =	vsub.s32 v7, v1  }
0x18f: {  	v8 =	vsub.s32 v8, v1;
	vm0 =	vlt.u32 v7, $0x1388  }
0x190: {  	v9 =	vsub.s32 v9, v1;
	vm12 =	vlt.u32 v8, $0x1388;
	v7 =	vsel vm0, v7, v2  }
0x191: {  	vm13 =	vlt.u32 v9, $0x1388;
	[tilespmem:$0x4E20] =	vst v7;
	v7 =	vsel vm12, v8, v3;
	v8 =	vsub.s32 v10, v1  }
0x192: {  	v63 =	vsub.s32 v11, v1;
	[tilespmem:$0x4E30] =	vst v7;
	v7 =	vsel vm13, v9, v4;
	vm14 =	vlt.u32 v8, $0x1388  }
0x193: {  	vm15 =	vlt.u32 v63, $0x1388;
	[tilespmem:$0x4E40] =	vst v7;
	v7 =	vsel vm14, v8, v5  }
0x194: {  	[tilespmem:$0x4E50] =	vst v7;
	v7 =	vsel vm15, v63, v6  }
0x195: {  	[tilespmem:$0x4E60] =	vst v7  }
0x196: {  	[spmem:s1] =	stream.indirect.scatter.add.f32 [tilespmem:s22], [sflag:$0x3], $0x90, s26, s23, $0xb8;
	[tilespmem:$0x15C70] =	vst v63  }
0x197: {  	_ =	swait.ge [sflag:s20], $0x2D00  }
0x198: {  	[sflag:s20] =	ssyncset.done $0x0  }
0x199: {  	[sflag:s20] =	ssyncadd.s32 $0xFFFFD300  }
0x19a: {  	[bflag:$0x0] =	sbarrier.arrive $0xFFFF  }
0x19b: {  	[hbm:s15], [sflag:s7] =	dma.local [spmem:s30], $0x5A0  }
0x19c: {  	_ =	swait.ge [sflag:s20], $0x5A0  }
0x19d: {  	[sflag:s20] =	ssyncset.done $0x0  }
0x19e: {  	[sflag:s20] =	ssyncadd.s32 $0xFFFFFA60  }
0x19f: {  	[hbm:s16], [sflag:s7] =	dma.local [spmem:s31], $0x5A0  }
0x1a0: {  	_ =	swait.ge [sflag:s20], $0x5A0  }
0x1a1: {  	[sflag:s20] =	ssyncset.done $0x0  }
0x1a2: {  	[sflag:s20] =	ssyncadd.s32 $0xFFFFFA60  }
0x1a3: {  	[hbm:s17], [sflag:s7] =	dma.local [spmem:s0], $0x5A0  }
0x1a4: {  	s29 =	sadd.s32 $0x1, s29;
	_ =	swait.ge [sflag:s20], $0x5A0  }
0x1a5: {  	p0 =	sne.s32 s29, s19;
	[sflag:s20] =	ssyncset.done $0x0  }
.Ltmp2:
0x1a6: {  	[sflag:s20] =	ssyncadd.s32 $0xFFFFFA60;
	(pc) =	sbr.rel @p0 .LBB2_1-.Ltmp2, $4  }
0x1a7: {  	[hbm:s18], [sflag:s7] =	dma.local [spmem:s3], $0x5A0  }
0x1a8: {  	_ =	swait.ge [sflag:s20], $0x5A0  }
0x1a9: {  	[sflag:s20] =	ssyncset.done $0x0  }
0x1aa: {  	[sflag:s20] =	ssyncadd.s32 $0xFFFFFA60  }
0x1ab: {  	_ =	sfence.sel $0x180000  }
0x1ac: {  	[bflag:$0x0] =	sbarrier.arrive $0xFFFF  }
0x1ad: {  	_ =	strace $0x90000047  }
0x1ae: {  	s0 =	stileid.u32;
	[bflag:$0x2] =	sbarrier.arrive $0xFFFF  }
0x1af: {  	p0 =	sne.s32 s0, $0x0;
	s0 =	rddreg [dreg:$0x3]  }
0x1b0: {  	s0 =	sadd.s32 @!p0 $0x100000, s0  }
0x1b1: {  	[sflag:s0] =	ssyncadd.tile.s32 @!p0 $0x1;
	_ =	shalt  }
.Lfunc_end2:
_tile_overlayer_lowered:
.L_overlay_start_2:
0x1b2: {  	(tag) =	ssettag $0x2  }
0x1b3: {  	s0 =	rddreg [dreg:$0x0];
	s2 =	stileid.u32  }
0x1b4: {  	s1 =	rddreg [dreg:$0x1];
	p0 =	sne.s32 s2, $0x0  }
0x1b5: {  	s3 =	rddreg [dreg:$0x2];
	[bflag:$0x3] =	sbarrier.arrive $0xFFFF;
	s2 =	simm.s32 @!p0 $0x1C03  }
0x1b6: {  	[timem:s3], [sflag:s2] =	dma.local @!p0 [hbm:s0], s1  }
0x1b7: {  	s0 =	simm.s32 @!p0 $0x3  }
0x1b8: {  	_ =	swait.ge @!p0 [sflag:s0], s1  }
0x1b9: {  	s1 =	ssub.s32 @!p0 $0x0, s1;
	[sflag:s0] =	ssyncset.done @!p0 $0x0  }
0x1ba: {  	[sflag:s0] =	ssyncadd.s32 @!p0 s1  }
0x1bb: {  	[bflag:$0x3] =	sbarrier.arrive $0xFFFF  }
0x1bc: {  	_ =	shalt  }

</sc_bundles>
